<compile_context>
chip_gen: v7x
topology: tpu7x:2x2x1
jax: 0.10.2.dev20260603
libtpu: 0.0.44.dev20260713+nightly
codegen_flags: <defaults>
</compile_context>

<pallas_src>
import functools

import jax
import jax.numpy as jnp
from jax import lax
from jax.experimental import pallas as pl
from jax.experimental.pallas import tpu as pltpu
from jax.experimental.pallas import tpu_sc as plsc

NODE = 1000000
D = 64
B = 16384
H = 20
N = 5
B2 = B // 2

_info = plsc.get_sparse_core_info()
_NC, _NS = _info.num_cores, _info.num_subcores
NW = _NC * _NS
RPW = B2 // NW

_sc_mesh = plsc.VectorSubcoreMesh(core_axis_name="c", subcore_axis_name="s")


NSEG = 2 + H + N


@functools.partial(
    pl.kernel,
    mesh=_sc_mesh,
    compiler_params=pltpu.CompilerParams(use_tc_tiling_on_sc=False),
    out_type=jax.ShapeDtypeStruct((NSEG, B2, 2 * D), jnp.float32),
    scratch_types=[
        pltpu.VMEM((RPW,), jnp.int32),
        pltpu.VMEM((RPW,), jnp.int32),
        pltpu.VMEM((RPW, D), jnp.float32),
        pltpu.VMEM((RPW, D), jnp.float32),
        pltpu.SemaphoreType.DMA,
        pltpu.SemaphoreType.DMA,
        pltpu.SemaphoreType.DMA,
        pltpu.SemaphoreType.DMA,
    ],
)
def _sc_gather(table, allidx, oall,
               idx0, idx1, rows0, rows1, g0, g1, st0, st1):
    wid = lax.axis_index("s") * _NC + lax.axis_index("c")
    rbase = wid * RPW
    idx2 = (idx0, idx1)
    rows2 = (rows0, rows1)
    gsem = (g0, g1)
    stsem = (st0, st1)

    def _src(k):
        s, j = k // NSEG, k % NSEG
        return allidx.at[j, pl.ds(s * B2 + rbase, RPW)]

    def _dst(k):
        s, j = k // NSEG, k % NSEG
        return oall.at[j, pl.ds(rbase, RPW), pl.ds(s * D, D)]

    pltpu.sync_copy(_src(0), idx2[0])

    def body(i, carry):
        for b in range(2):
            k = 2 * i + b
            @pl.when(k >= 2)
            def _drain(b=b, k=k):
                pltpu.make_async_copy(rows2[b], _dst(k), stsem[b]).wait()
            gather = pltpu.async_copy(table.at[idx2[b]], rows2[b], gsem[b])

            @pl.when(k + 1 < 2 * NSEG)
            def _prefetch(b=b, k=k):
                pltpu.sync_copy(_src(k + 1), idx2[1 - b])
            gather.wait()
            pltpu.make_async_copy(rows2[b], _dst(k), stsem[b]).start()
        return carry

    lax.fori_loop(0, NSEG, body, 0)
    for b in range(2):
        k = 2 * (NSEG - 1) + b
        pltpu.make_async_copy(rows2[b], _dst(k), stsem[b]).wait()


BBR = 512


def _logsig(z):
    return jnp.minimum(z, 0.0) - jnp.log1p(jnp.exp(-jnp.abs(z)))


def _dot(a, b):
    return jax.lax.dot(a, b, preferred_element_type=jnp.float32)


def _tc_body(all_ref, tp1_ref, tp2_ref, etb_ref,
             selh_ref, selht_ref, fullsel_ref, sumsel_ref, out_ref):
    x = all_ref[0]
    y = all_ref[1]
    fullsel = fullsel_ref[...]
    sumsel = sumsel_ref[...]

    d = x - y
    p_mu = -_dot(d * d, fullsel)

    alpha_c = jnp.zeros_like(x)
    sh_c = jnp.zeros_like(x)
    for h in range(H):
        hh = all_ref[2 + h]
        d = x - hh
        alpha_c = alpha_c + _dot(d * d, selh_ref[h])
        sh_c = sh_c + _dot(hh * hh, selh_ref[h])
    alpha_c = -alpha_c

    lane = jax.lax.broadcasted_iota(jnp.int32, (BBR, 2 * D), 1)
    valid = jnp.logical_or(lane < H, jnp.logical_and(lane >= D, lane < D + H))
    exps_c = jnp.where(valid, jnp.exp(alpha_c), 0.0)
    ssum = jnp.maximum(_dot(exps_c, sumsel), 1e-35)

    dt_c = jnp.abs(etb_ref[...] - tp1_ref[...])
    decay_c = jnp.exp(dt_c) * tp2_ref[...]
    w_c = exps_c * decay_c / ssum

    A = _dot(w_c * alpha_c, sumsel)
    Wsum = _dot(w_c, sumsel)
    S = _dot(w_c * sh_c, sumsel)
    hw = jnp.zeros_like(x)
    for h in range(H):
        hw = hw + _dot(w_c, selht_ref[h]) * all_ref[2 + h]

    loss = _logsig(p_mu + A)
    for n in range(N):
        nn = all_ref[2 + H + n]
        d = x - nn
        n_mu = -_dot(d * d, fullsel)
        sn = _dot(nn * nn, fullsel)
        dot = _dot(hw * nn, fullsel)
        loss = loss - _logsig(n_mu - S - Wsum * sn + 2.0 * dot)
    out_ref[...] = loss


def kernel(xs, ys, e_times, hs, h_times, neg_node, h_times_mask,
           emb_table, delta_table):
    xs = xs.astype(jnp.int32)
    ys = ys.astype(jnp.int32)
    hs_t = jnp.transpose(hs).astype(jnp.int32)
    ns_t = jnp.transpose(neg_node).astype(jnp.int32)

    pad = jnp.zeros((B2, D - H), jnp.float32)
    tp1 = jnp.concatenate([h_times[:B2], pad, h_times[B2:], pad], axis=1)
    tp2 = jnp.concatenate(
        [h_times_mask[:B2], pad, h_times_mask[B2:], pad], axis=1)

    def _bcast2(v):
        return jnp.concatenate(
            [jnp.broadcast_to(v[:B2, None], (B2, D)),
             jnp.broadcast_to(v[B2:, None], (B2, D))], axis=1)

    etb = _bcast2(e_times)

    ii = jax.lax.broadcasted_iota(jnp.int32, (2 * D, 2 * D), 0)
    jj = jax.lax.broadcasted_iota(jnp.int32, (2 * D, 2 * D), 1)
    ilo, jlo = ii < D, jj < D
    fullsel = (ilo == jlo).astype(jnp.float32)
    sumsel = (jnp.where(ilo, ii, 999) < H) & jlo
    sumsel = (sumsel | (((jnp.where(ilo, -1, ii - D)) < H)
                        & (jnp.where(ilo, -1, ii - D) >= 0) & ~jlo))
    sumsel = sumsel.astype(jnp.float32)
    hh_idx = jax.lax.broadcasted_iota(jnp.int32, (H, 2 * D, 2 * D), 0)
    hi2 = jax.lax.broadcasted_iota(jnp.int32, (H, 2 * D, 2 * D), 1)
    hj2 = jax.lax.broadcasted_iota(jnp.int32, (H, 2 * D, 2 * D), 2)
    selh = (((hi2 < D) & (hj2 == hh_idx))
            | ((hi2 >= D) & (hj2 == hh_idx + D))).astype(jnp.float32)
    selht = jnp.transpose(selh, (0, 2, 1))

    allidx = jnp.concatenate([xs[None, :], ys[None, :], hs_t, ns_t], axis=0)
    oall = _sc_gather(emb_table, allidx)

    grid = B2 // BBR
    cst2 = pl.BlockSpec((2 * D, 2 * D), lambda i: (0, 0))
    cst3 = pl.BlockSpec((H, 2 * D, 2 * D), lambda i: (0, 0, 0))
    row2 = pl.BlockSpec((BBR, 2 * D), lambda i: (i, 0))
    losspack = pl.pallas_call(
        _tc_body,
        grid=(grid,),
        in_specs=[
            pl.BlockSpec((NSEG, BBR, 2 * D), lambda i: (0, i, 0)),
            row2, row2, row2,
            cst3, cst3, cst2, cst2,
        ],
        out_specs=row2,
        out_shape=jax.ShapeDtypeStruct((B2, 2 * D), jnp.float32),
    )(oall, tp1, tp2, etb, selh, selht, fullsel, sumsel)
    return jnp.concatenate([losspack[:, 0], losspack[:, D]], axis=0)

# --- scband reference (transcript-rebuilt; emitter-appended) ---
"""Pipeline reference for scband-htne-32083405701144 (READ-ONLY COPY).

The authoritative reference and input builder live on the scoring server;
editing this copy changes nothing except your own understanding.
"""

import jax, jax.numpy as jnp
import numpy as np

NODE_SIZE = 1000000
EMBED = 64
BATCH = 16384
HIST = 20
NEG = 5

def setup_inputs(seed: int = 0) -> dict:
    key = jax.random.key(seed)
    ks = jax.random.split(key, 8)
    xs = jax.random.randint(ks[0], (BATCH,), 0, NODE_SIZE)
    ys = jax.random.randint(ks[1], (BATCH,), 0, NODE_SIZE)
    e_times = jax.random.uniform(ks[2], (BATCH,), dtype=jnp.float32)
    hs = jax.random.randint(ks[3], (BATCH, HIST), 0, NODE_SIZE)
    h_times = jax.random.uniform(ks[4], (BATCH, HIST), dtype=jnp.float32)
    neg_node = jax.random.randint(ks[5], (BATCH, NEG), 0, NODE_SIZE)
    h_times_mask = jnp.ones((BATCH, HIST), dtype=jnp.float32)
    emb_table = jax.random.normal(ks[6], (NODE_SIZE, EMBED), dtype=jnp.float32) * 0.05
    delta_table = jnp.ones((NODE_SIZE, 1), dtype=jnp.float32)
    return {"xs": xs, "ys": ys, "e_times": e_times, "hs": hs, "h_times": h_times,
            "neg_node": neg_node, "h_times_mask": h_times_mask,
            "emb_table": emb_table, "delta_table": delta_table}

def reference(xs, ys, e_times, hs, h_times, neg_node, h_times_mask, emb_table, delta_table):
    # embedding lookups (gather)
    x_embed = jnp.take(emb_table, xs, axis=0)            # (B, D)
    y_embed = jnp.take(emb_table, ys, axis=0)            # (B, D)
    h_embed = jnp.take(emb_table, hs, axis=0)            # (B, H, D)
    n_embed = jnp.take(emb_table, neg_node, axis=0)      # (B, N, D)
    delta = jnp.take(delta_table, xs, axis=0)            # (B, 1)

    d_time = jnp.abs(e_times[:, None] - h_times)         # (B, H)
    p_mu = -jnp.sum(jnp.square(x_embed - y_embed), axis=-1)                     # (B,)
    alpha = -jnp.sum(jnp.square(x_embed[:, None, :] - h_embed), axis=-1)        # (B, H)
    attn = jax.nn.softmax(alpha, axis=1)                                        # (B, H)
    decay = jnp.exp(delta * d_time) * h_times_mask                              # (B, H)
    p_lambda = p_mu + jnp.sum(attn * alpha * decay, axis=-1)                    # (B,)

    n_mu = -jnp.sum(jnp.square(x_embed[:, None, :] - n_embed), axis=-1)         # (B, N)
    n_alpha = -jnp.sum(jnp.square(h_embed[:, :, None, :] - n_embed[:, None, :, :]), axis=-1)  # (B, H, N)
    n_lambda = n_mu + jnp.sum(attn[:, :, None] * n_alpha * decay[:, :, None], axis=1)         # (B, N)

    loss = jax.nn.log_sigmoid(p_lambda) - jnp.sum(jax.nn.log_sigmoid(n_lambda), axis=1)       # (B,)
    return loss

if __name__ == "__main__":
    import jax
    _d = setup_inputs()
    print(jax.jit(kernel)(*tuple(_d.values())))

</pallas_src>

<mosaic_0001>
#map = affine_map<(d0, d1) -> (0, 0)>
#map1 = affine_map<(d0, d1) -> (0, 0, 0)>
module attributes {stable_mosaic.version = 14 : i64} {
  func.func @_sc_gather(%arg0: i32, %arg1: i32, %arg2: memref<1000000x64xf32, #tpu.memory_space<hbm>>, %arg3: memref<27x16384xi32, #tpu.memory_space<hbm>>, %arg4: memref<27x8192x128xf32, #tpu.memory_space<hbm>>, %arg5: memref<256xi32, #tpu.memory_space<vmem>>, %arg6: memref<256xi32, #tpu.memory_space<vmem>>, %arg7: memref<256x64xf32, #tpu.memory_space<vmem>>, %arg8: memref<256x64xf32, #tpu.memory_space<vmem>>, %arg9: memref<!tpu.dma_semaphore, #tpu.memory_space<semaphore_mem>>, %arg10: memref<!tpu.dma_semaphore, #tpu.memory_space<semaphore_mem>>, %arg11: memref<!tpu.dma_semaphore, #tpu.memory_space<semaphore_mem>>, %arg12: memref<!tpu.dma_semaphore, #tpu.memory_space<semaphore_mem>>) attributes {dimension_semantics = [#tpu.dimension_semantics<core_parallel>, #tpu.dimension_semantics<subcore_parallel>], iteration_bounds = array<i64: 2, 16>, scalar_prefetch = 0 : i64, scratch_operands = 8 : i64, tpu.core_type = #tpu.core_type<sc_vector_subcore>, window_params = [{transform_indices = #map}, {transform_indices = #map}, {transform_indices = #map1}]} {
    %mul3A = arith.constant 2 : i32
    %mul3A_0 = arith.muli %arg1, %mul3A : i32
    %add3A = arith.addi %mul3A_0, %arg0 : i32
    %mul3A_1 = arith.constant 256 : i32
    %mul3A_2 = arith.muli %add3A, %mul3A_1 : i32
    %add3A_3 = arith.constant 0 : i32
    %add3A_4 = arith.addi %add3A_3, %mul3A_2 : i32
    %run_scoped3A = arith.constant 0 : i32
    "tpu.region"() ({
      %run_scoped3A_23 = tpu.sem_alloc : memref<!tpu.dma_semaphore, #tpu.memory_space<semaphore_mem>>
      %dma_start3A = tpu.memref_slice %arg3[%run_scoped3A, %add3A_4] : memref<27x16384xi32, #tpu.memory_space<hbm>> -> memref<1x256xi32, #tpu.memory_space<hbm>>
      %dma_start3A_24 = tpu.memref_squeeze %dma_start3A : memref<1x256xi32, #tpu.memory_space<hbm>> -> memref<256xi32, #tpu.memory_space<hbm>>
      %dma_start3A_25 = tpu.memref_slice %arg3[%run_scoped3A, %add3A_4] : memref<27x16384xi32, #tpu.memory_space<hbm>> -> memref<1x256xi32, #tpu.memory_space<hbm>>
      %dma_start3A_26 = tpu.memref_squeeze %dma_start3A_25 : memref<1x256xi32, #tpu.memory_space<hbm>> -> memref<256xi32, #tpu.memory_space<hbm>>
      tpu.enqueue_dma source(%dma_start3A_26 : memref<256xi32, #tpu.memory_space<hbm>>) target(%arg5 : memref<256xi32, #tpu.memory_space<vmem>>) target_semaphore(%run_scoped3A_23 : memref<!tpu.dma_semaphore, #tpu.memory_space<semaphore_mem>>)
      %dma_wait3A_27 = tpu.memref_slice %arg3[%run_scoped3A, %add3A_4] : memref<27x16384xi32, #tpu.memory_space<hbm>> -> memref<1x256xi32, #tpu.memory_space<hbm>>
      %dma_wait3A_28 = tpu.memref_squeeze %dma_wait3A_27 : memref<1x256xi32, #tpu.memory_space<hbm>> -> memref<256xi32, #tpu.memory_space<hbm>>
      %dma_wait3A_29 = tpu.memref_slice %arg3[%run_scoped3A, %add3A_4] : memref<27x16384xi32, #tpu.memory_space<hbm>> -> memref<1x256xi32, #tpu.memory_space<hbm>>
      %dma_wait3A_30 = tpu.memref_squeeze %dma_wait3A_29 : memref<1x256xi32, #tpu.memory_space<hbm>> -> memref<256xi32, #tpu.memory_space<hbm>>
      tpu.wait_dma2 semaphore(%run_scoped3A_23 : memref<!tpu.dma_semaphore, #tpu.memory_space<semaphore_mem>>) src(%dma_wait3A_30 : memref<256xi32, #tpu.memory_space<hbm>>) dst(%arg5 : memref<256xi32, #tpu.memory_space<vmem>>)
      tpu.yield
    }) : () -> ()
    %scan3A = arith.constant 0 : i32
    %scan3A_5 = arith.constant 0 : i32
    %scan3A_6 = arith.constant 27 : i32
    %scan3A_7 = arith.addi %scan3A_5, %scan3A_6 : i32
    %scan3A_8 = arith.constant 1 : i32
    scf.for %scan3A_23 = %scan3A_5 to %scan3A_7 step %scan3A_8  : i32 {
      %mul3A_24 = arith.constant 2 : i32
      %mul3A_25 = arith.muli %mul3A_24, %scan3A_23 : i32
      %add3A_26 = arith.constant 0 : i32
      %add3A_27 = arith.addi %mul3A_25, %add3A_26 : i32
      %ge3A = arith.constant 2 : i32
      %ge3A_28 = arith.cmpi sge, %add3A_27, %ge3A : i32
      %convert_element_type3A = arith.extui %ge3A_28 : i1 to i32
      %cond3A = arith.constant 0 : i32
      %cond3A_29 = arith.cmpi ne, %convert_element_type3A, %cond3A : i32
      scf.if %cond3A_29 {
        %jit3A_146 = arith.constant 27 : i32
        %div3A_147 = arith.divsi %add3A_27, %jit3A_146 : i32
        %sign3A_148 = arith.constant 0 : i32
        %sign3A_149 = arith.cmpi sgt, %add3A_27, %sign3A_148 : i32
        %sign3A_150 = arith.extui %sign3A_149 : i1 to i32
        %sign3A_151 = arith.constant 0 : i32
        %sign3A_152 = arith.cmpi slt, %add3A_27, %sign3A_151 : i32
        %sign3A_153 = arith.extui %sign3A_152 : i1 to i32
        %sign3A_154 = arith.subi %sign3A_150, %sign3A_153 : i32
        %sign3A_155 = arith.constant 0 : i32
        %sign3A_156 = arith.cmpi sgt, %jit3A_146, %sign3A_155 : i32
        %sign3A_157 = arith.extui %sign3A_156 : i1 to i32
        %sign3A_158 = arith.constant 0 : i32
        %sign3A_159 = arith.cmpi slt, %jit3A_146, %sign3A_158 : i32
        %sign3A_160 = arith.extui %sign3A_159 : i1 to i32
        %sign3A_161 = arith.subi %sign3A_157, %sign3A_160 : i32
        %ne3A_162 = arith.cmpi ne, %sign3A_154, %sign3A_161 : i32
        %rem3A_163 = arith.remsi %add3A_27, %jit3A_146 : i32
        %ne3A_164 = arith.constant 0 : i32
        %ne3A_165 = arith.cmpi ne, %rem3A_163, %ne3A_164 : i32
        %and3A_166 = arith.andi %ne3A_162, %ne3A_165 : i1
        %sub3A_167 = arith.constant 1 : i32
        %sub3A_168 = arith.subi %div3A_147, %sub3A_167 : i32
        %select_n3A_169 = arith.select %and3A_166, %sub3A_168, %div3A_147 : i32
        %jit3A_170 = arith.constant 27 : i32
        %eq3A_171 = arith.constant 0 : i32
        %eq3A_172 = arith.cmpi eq, %jit3A_170, %eq3A_171 : i32
        %jit3A_173 = arith.constant 1 : i32
        %select_n3A_174 = arith.select %eq3A_172, %jit3A_173, %jit3A_170 : i32
        %rem3A_175 = arith.remsi %add3A_27, %select_n3A_174 : i32
        %ne3A_176 = arith.constant 0 : i32
        %ne3A_177 = arith.cmpi ne, %rem3A_175, %ne3A_176 : i32
        %lt3A_178 = arith.constant 0 : i32
        %lt3A_179 = arith.cmpi slt, %rem3A_175, %lt3A_178 : i32
        %lt3A_180 = arith.constant 0 : i32
        %lt3A_181 = arith.cmpi slt, %select_n3A_174, %lt3A_180 : i32
        %ne3A_182 = arith.xori %lt3A_179, %lt3A_181 : i1
        %and3A_183 = arith.andi %ne3A_182, %ne3A_177 : i1
        %add3A_184 = arith.addi %rem3A_175, %select_n3A_174 : i32
        %select_n3A_185 = arith.select %and3A_183, %add3A_184, %rem3A_175 : i32
        %mul3A_186 = arith.constant 64 : i32
        %mul3A_187 = arith.muli %select_n3A_169, %mul3A_186 : i32
        %dma_wait3A_188 = tpu.memref_slice %arg4[%select_n3A_185, %mul3A_2, %mul3A_187] : memref<27x8192x128xf32, #tpu.memory_space<hbm>> -> memref<1x256x64xf32, #tpu.memory_space<hbm>>
        %dma_wait3A_189 = tpu.memref_squeeze %dma_wait3A_188 : memref<1x256x64xf32, #tpu.memory_space<hbm>> -> memref<256x64xf32, #tpu.memory_space<hbm>>
        %dma_wait3A_190 = tpu.memref_slice %arg4[%select_n3A_185, %mul3A_2, %mul3A_187] : memref<27x8192x128xf32, #tpu.memory_space<hbm>> -> memref<1x256x64xf32, #tpu.memory_space<hbm>>
        %dma_wait3A_191 = tpu.memref_squeeze %dma_wait3A_190 : memref<1x256x64xf32, #tpu.memory_space<hbm>> -> memref<256x64xf32, #tpu.memory_space<hbm>>
        tpu.wait_dma2 semaphore(%arg11 : memref<!tpu.dma_semaphore, #tpu.memory_space<semaphore_mem>>) src(%arg7 : memref<256x64xf32, #tpu.memory_space<vmem>>) dst(%dma_wait3A_191 : memref<256x64xf32, #tpu.memory_space<hbm>>)
      } else {
      }
      %dma_start3A = arith.constant 0 : i32
      %dma_start3A_30 = arith.constant 0 : i32
      %dma_start3A_31 = tpu.memref_slice %arg2[%dma_start3A, %dma_start3A_30] : memref<1000000x64xf32, #tpu.memory_space<hbm>> -> memref<1000000x64xf32, #tpu.memory_space<hbm>>
      tpu.enqueue_indirect_dma source(%dma_start3A_31 : memref<1000000x64xf32, #tpu.memory_space<hbm>>) target(%arg7 : memref<256x64xf32, #tpu.memory_space<vmem>>) offsets(%arg5 : memref<256xi32, #tpu.memory_space<vmem>>) semaphore(%arg9 : memref<!tpu.dma_semaphore, #tpu.memory_space<semaphore_mem>>)
      %add3A_32 = arith.constant 1 : i32
      %add3A_33 = arith.addi %add3A_27, %add3A_32 : i32
      %lt3A = arith.constant 54 : i32
      %lt3A_34 = arith.cmpi slt, %add3A_33, %lt3A : i32
      %convert_element_type3A_35 = arith.extui %lt3A_34 : i1 to i32
      %cond3A_36 = arith.constant 0 : i32
      %cond3A_37 = arith.cmpi ne, %convert_element_type3A_35, %cond3A_36 : i32
      scf.if %cond3A_37 {
        %add3A_146 = arith.constant 1 : i32
        %add3A_147 = arith.addi %add3A_27, %add3A_146 : i32
        %jit3A_148 = arith.constant 27 : i32
        %div3A_149 = arith.divsi %add3A_147, %jit3A_148 : i32
        %sign3A_150 = arith.constant 0 : i32
        %sign3A_151 = arith.cmpi sgt, %add3A_147, %sign3A_150 : i32
        %sign3A_152 = arith.extui %sign3A_151 : i1 to i32
        %sign3A_153 = arith.constant 0 : i32
        %sign3A_154 = arith.cmpi slt, %add3A_147, %sign3A_153 : i32
        %sign3A_155 = arith.extui %sign3A_154 : i1 to i32
        %sign3A_156 = arith.subi %sign3A_152, %sign3A_155 : i32
        %sign3A_157 = arith.constant 0 : i32
        %sign3A_158 = arith.cmpi sgt, %jit3A_148, %sign3A_157 : i32
        %sign3A_159 = arith.extui %sign3A_158 : i1 to i32
        %sign3A_160 = arith.constant 0 : i32
        %sign3A_161 = arith.cmpi slt, %jit3A_148, %sign3A_160 : i32
        %sign3A_162 = arith.extui %sign3A_161 : i1 to i32
        %sign3A_163 = arith.subi %sign3A_159, %sign3A_162 : i32
        %ne3A_164 = arith.cmpi ne, %sign3A_156, %sign3A_163 : i32
        %rem3A_165 = arith.remsi %add3A_147, %jit3A_148 : i32
        %ne3A_166 = arith.constant 0 : i32
        %ne3A_167 = arith.cmpi ne, %rem3A_165, %ne3A_166 : i32
        %and3A_168 = arith.andi %ne3A_164, %ne3A_167 : i1
        %sub3A_169 = arith.constant 1 : i32
        %sub3A_170 = arith.subi %div3A_149, %sub3A_169 : i32
        %select_n3A_171 = arith.select %and3A_168, %sub3A_170, %div3A_149 : i32
        %jit3A_172 = arith.constant 27 : i32
        %eq3A_173 = arith.constant 0 : i32
        %eq3A_174 = arith.cmpi eq, %jit3A_172, %eq3A_173 : i32
        %jit3A_175 = arith.constant 1 : i32
        %select_n3A_176 = arith.select %eq3A_174, %jit3A_175, %jit3A_172 : i32
        %rem3A_177 = arith.remsi %add3A_147, %select_n3A_176 : i32
        %ne3A_178 = arith.constant 0 : i32
        %ne3A_179 = arith.cmpi ne, %rem3A_177, %ne3A_178 : i32
        %lt3A_180 = arith.constant 0 : i32
        %lt3A_181 = arith.cmpi slt, %rem3A_177, %lt3A_180 : i32
        %lt3A_182 = arith.constant 0 : i32
        %lt3A_183 = arith.cmpi slt, %select_n3A_176, %lt3A_182 : i32
        %ne3A_184 = arith.xori %lt3A_181, %lt3A_183 : i1
        %and3A_185 = arith.andi %ne3A_184, %ne3A_179 : i1
        %add3A_186 = arith.addi %rem3A_177, %select_n3A_176 : i32
        %select_n3A_187 = arith.select %and3A_185, %add3A_186, %rem3A_177 : i32
        %mul3A_188 = arith.constant 8192 : i32
        %mul3A_189 = arith.muli %select_n3A_171, %mul3A_188 : i32
        %add3A_190 = arith.addi %mul3A_189, %mul3A_2 : i32
        "tpu.region"() ({
          %run_scoped3A_191 = tpu.sem_alloc : memref<!tpu.dma_semaphore, #tpu.memory_space<semaphore_mem>>
          %dma_start3A_192 = tpu.memref_slice %arg3[%select_n3A_187, %add3A_190] : memref<27x16384xi32, #tpu.memory_space<hbm>> -> memref<1x256xi32, #tpu.memory_space<hbm>>
          %dma_start3A_193 = tpu.memref_squeeze %dma_start3A_192 : memref<1x256xi32, #tpu.memory_space<hbm>> -> memref<256xi32, #tpu.memory_space<hbm>>
          %dma_start3A_194 = tpu.memref_slice %arg3[%select_n3A_187, %add3A_190] : memref<27x16384xi32, #tpu.memory_space<hbm>> -> memref<1x256xi32, #tpu.memory_space<hbm>>
          %dma_start3A_195 = tpu.memref_squeeze %dma_start3A_194 : memref<1x256xi32, #tpu.memory_space<hbm>> -> memref<256xi32, #tpu.memory_space<hbm>>
          tpu.enqueue_dma source(%dma_start3A_195 : memref<256xi32, #tpu.memory_space<hbm>>) target(%arg6 : memref<256xi32, #tpu.memory_space<vmem>>) target_semaphore(%run_scoped3A_191 : memref<!tpu.dma_semaphore, #tpu.memory_space<semaphore_mem>>)
          %dma_wait3A_196 = tpu.memref_slice %arg3[%select_n3A_187, %add3A_190] : memref<27x16384xi32, #tpu.memory_space<hbm>> -> memref<1x256xi32, #tpu.memory_space<hbm>>
          %dma_wait3A_197 = tpu.memref_squeeze %dma_wait3A_196 : memref<1x256xi32, #tpu.memory_space<hbm>> -> memref<256xi32, #tpu.memory_space<hbm>>
          %dma_wait3A_198 = tpu.memref_slice %arg3[%select_n3A_187, %add3A_190] : memref<27x16384xi32, #tpu.memory_space<hbm>> -> memref<1x256xi32, #tpu.memory_space<hbm>>
          %dma_wait3A_199 = tpu.memref_squeeze %dma_wait3A_198 : memref<1x256xi32, #tpu.memory_space<hbm>> -> memref<256xi32, #tpu.memory_space<hbm>>
          tpu.wait_dma2 semaphore(%run_scoped3A_191 : memref<!tpu.dma_semaphore, #tpu.memory_space<semaphore_mem>>) src(%dma_wait3A_199 : memref<256xi32, #tpu.memory_space<hbm>>) dst(%arg6 : memref<256xi32, #tpu.memory_space<vmem>>)
          tpu.yield
        }) : () -> ()
      } else {
      }
      %dma_wait3A_38 = arith.constant 0 : i32
      %dma_wait3A_39 = arith.constant 0 : i32
      %dma_wait3A_40 = tpu.memref_slice %arg2[%dma_wait3A_38, %dma_wait3A_39] : memref<1000000x64xf32, #tpu.memory_space<hbm>> -> memref<1000000x64xf32, #tpu.memory_space<hbm>>
      tpu.wait_indirect_dma semaphore(%arg9 : memref<!tpu.dma_semaphore, #tpu.memory_space<semaphore_mem>>) src(%dma_wait3A_40 : memref<1000000x64xf32, #tpu.memory_space<hbm>>) dst(%arg7 : memref<256x64xf32, #tpu.memory_space<vmem>>)
      %jit3A = arith.constant 27 : i32
      %div3A = arith.divsi %add3A_27, %jit3A : i32
      %sign3A = arith.constant 0 : i32
      %sign3A_41 = arith.cmpi sgt, %add3A_27, %sign3A : i32
      %sign3A_42 = arith.extui %sign3A_41 : i1 to i32
      %sign3A_43 = arith.constant 0 : i32
      %sign3A_44 = arith.cmpi slt, %add3A_27, %sign3A_43 : i32
      %sign3A_45 = arith.extui %sign3A_44 : i1 to i32
      %sign3A_46 = arith.subi %sign3A_42, %sign3A_45 : i32
      %sign3A_47 = arith.constant 0 : i32
      %sign3A_48 = arith.cmpi sgt, %jit3A, %sign3A_47 : i32
      %sign3A_49 = arith.extui %sign3A_48 : i1 to i32
      %sign3A_50 = arith.constant 0 : i32
      %sign3A_51 = arith.cmpi slt, %jit3A, %sign3A_50 : i32
      %sign3A_52 = arith.extui %sign3A_51 : i1 to i32
      %sign3A_53 = arith.subi %sign3A_49, %sign3A_52 : i32
      %ne3A = arith.cmpi ne, %sign3A_46, %sign3A_53 : i32
      %rem3A = arith.remsi %add3A_27, %jit3A : i32
      %ne3A_54 = arith.constant 0 : i32
      %ne3A_55 = arith.cmpi ne, %rem3A, %ne3A_54 : i32
      %and3A = arith.andi %ne3A, %ne3A_55 : i1
      %sub3A = arith.constant 1 : i32
      %sub3A_56 = arith.subi %div3A, %sub3A : i32
      %select_n3A = arith.select %and3A, %sub3A_56, %div3A : i32
      %jit3A_57 = arith.constant 27 : i32
      %eq3A = arith.constant 0 : i32
      %eq3A_58 = arith.cmpi eq, %jit3A_57, %eq3A : i32
      %jit3A_59 = arith.constant 1 : i32
      %select_n3A_60 = arith.select %eq3A_58, %jit3A_59, %jit3A_57 : i32
      %rem3A_61 = arith.remsi %add3A_27, %select_n3A_60 : i32
      %ne3A_62 = arith.constant 0 : i32
      %ne3A_63 = arith.cmpi ne, %rem3A_61, %ne3A_62 : i32
      %lt3A_64 = arith.constant 0 : i32
      %lt3A_65 = arith.cmpi slt, %rem3A_61, %lt3A_64 : i32
      %lt3A_66 = arith.constant 0 : i32
      %lt3A_67 = arith.cmpi slt, %select_n3A_60, %lt3A_66 : i32
      %ne3A_68 = arith.xori %lt3A_65, %lt3A_67 : i1
      %and3A_69 = arith.andi %ne3A_68, %ne3A_63 : i1
      %add3A_70 = arith.addi %rem3A_61, %select_n3A_60 : i32
      %select_n3A_71 = arith.select %and3A_69, %add3A_70, %rem3A_61 : i32
      %mul3A_72 = arith.constant 64 : i32
      %mul3A_73 = arith.muli %select_n3A, %mul3A_72 : i32
      %dma_start3A_74 = tpu.memref_slice %arg4[%select_n3A_71, %mul3A_2, %mul3A_73] : memref<27x8192x128xf32, #tpu.memory_space<hbm>> -> memref<1x256x64xf32, #tpu.memory_space<hbm>>
      %dma_start3A_75 = tpu.memref_squeeze %dma_start3A_74 : memref<1x256x64xf32, #tpu.memory_space<hbm>> -> memref<256x64xf32, #tpu.memory_space<hbm>>
      %dma_start3A_76 = tpu.memref_slice %arg4[%select_n3A_71, %mul3A_2, %mul3A_73] : memref<27x8192x128xf32, #tpu.memory_space<hbm>> -> memref<1x256x64xf32, #tpu.memory_space<hbm>>
      %dma_start3A_77 = tpu.memref_squeeze %dma_start3A_76 : memref<1x256x64xf32, #tpu.memory_space<hbm>> -> memref<256x64xf32, #tpu.memory_space<hbm>>
      tpu.enqueue_dma source(%arg7 : memref<256x64xf32, #tpu.memory_space<vmem>>) target(%dma_start3A_77 : memref<256x64xf32, #tpu.memory_space<hbm>>) target_semaphore(%arg11 : memref<!tpu.dma_semaphore, #tpu.memory_space<semaphore_mem>>)
      %mul3A_78 = arith.constant 2 : i32
      %mul3A_79 = arith.muli %mul3A_78, %scan3A_23 : i32
      %add3A_80 = arith.constant 1 : i32
      %add3A_81 = arith.addi %mul3A_79, %add3A_80 : i32
      %ge3A_82 = arith.constant 2 : i32
      %ge3A_83 = arith.cmpi sge, %add3A_81, %ge3A_82 : i32
      %convert_element_type3A_84 = arith.extui %ge3A_83 : i1 to i32
      %cond3A_85 = arith.constant 0 : i32
      %cond3A_86 = arith.cmpi ne, %convert_element_type3A_84, %cond3A_85 : i32
      scf.if %cond3A_86 {
        %jit3A_146 = arith.constant 27 : i32
        %div3A_147 = arith.divsi %add3A_81, %jit3A_146 : i32
        %sign3A_148 = arith.constant 0 : i32
        %sign3A_149 = arith.cmpi sgt, %add3A_81, %sign3A_148 : i32
        %sign3A_150 = arith.extui %sign3A_149 : i1 to i32
        %sign3A_151 = arith.constant 0 : i32
        %sign3A_152 = arith.cmpi slt, %add3A_81, %sign3A_151 : i32
        %sign3A_153 = arith.extui %sign3A_152 : i1 to i32
        %sign3A_154 = arith.subi %sign3A_150, %sign3A_153 : i32
        %sign3A_155 = arith.constant 0 : i32
        %sign3A_156 = arith.cmpi sgt, %jit3A_146, %sign3A_155 : i32
        %sign3A_157 = arith.extui %sign3A_156 : i1 to i32
        %sign3A_158 = arith.constant 0 : i32
        %sign3A_159 = arith.cmpi slt, %jit3A_146, %sign3A_158 : i32
        %sign3A_160 = arith.extui %sign3A_159 : i1 to i32
        %sign3A_161 = arith.subi %sign3A_157, %sign3A_160 : i32
        %ne3A_162 = arith.cmpi ne, %sign3A_154, %sign3A_161 : i32
        %rem3A_163 = arith.remsi %add3A_81, %jit3A_146 : i32
        %ne3A_164 = arith.constant 0 : i32
        %ne3A_165 = arith.cmpi ne, %rem3A_163, %ne3A_164 : i32
        %and3A_166 = arith.andi %ne3A_162, %ne3A_165 : i1
        %sub3A_167 = arith.constant 1 : i32
        %sub3A_168 = arith.subi %div3A_147, %sub3A_167 : i32
        %select_n3A_169 = arith.select %and3A_166, %sub3A_168, %div3A_147 : i32
        %jit3A_170 = arith.constant 27 : i32
        %eq3A_171 = arith.constant 0 : i32
        %eq3A_172 = arith.cmpi eq, %jit3A_170, %eq3A_171 : i32
        %jit3A_173 = arith.constant 1 : i32
        %select_n3A_174 = arith.select %eq3A_172, %jit3A_173, %jit3A_170 : i32
        %rem3A_175 = arith.remsi %add3A_81, %select_n3A_174 : i32
        %ne3A_176 = arith.constant 0 : i32
        %ne3A_177 = arith.cmpi ne, %rem3A_175, %ne3A_176 : i32
        %lt3A_178 = arith.constant 0 : i32
        %lt3A_179 = arith.cmpi slt, %rem3A_175, %lt3A_178 : i32
        %lt3A_180 = arith.constant 0 : i32
        %lt3A_181 = arith.cmpi slt, %select_n3A_174, %lt3A_180 : i32
        %ne3A_182 = arith.xori %lt3A_179, %lt3A_181 : i1
        %and3A_183 = arith.andi %ne3A_182, %ne3A_177 : i1
        %add3A_184 = arith.addi %rem3A_175, %select_n3A_174 : i32
        %select_n3A_185 = arith.select %and3A_183, %add3A_184, %rem3A_175 : i32
        %mul3A_186 = arith.constant 64 : i32
        %mul3A_187 = arith.muli %select_n3A_169, %mul3A_186 : i32
        %dma_wait3A_188 = tpu.memref_slice %arg4[%select_n3A_185, %mul3A_2, %mul3A_187] : memref<27x8192x128xf32, #tpu.memory_space<hbm>> -> memref<1x256x64xf32, #tpu.memory_space<hbm>>
        %dma_wait3A_189 = tpu.memref_squeeze %dma_wait3A_188 : memref<1x256x64xf32, #tpu.memory_space<hbm>> -> memref<256x64xf32, #tpu.memory_space<hbm>>
        %dma_wait3A_190 = tpu.memref_slice %arg4[%select_n3A_185, %mul3A_2, %mul3A_187] : memref<27x8192x128xf32, #tpu.memory_space<hbm>> -> memref<1x256x64xf32, #tpu.memory_space<hbm>>
        %dma_wait3A_191 = tpu.memref_squeeze %dma_wait3A_190 : memref<1x256x64xf32, #tpu.memory_space<hbm>> -> memref<256x64xf32, #tpu.memory_space<hbm>>
        tpu.wait_dma2 semaphore(%arg12 : memref<!tpu.dma_semaphore, #tpu.memory_space<semaphore_mem>>) src(%arg8 : memref<256x64xf32, #tpu.memory_space<vmem>>) dst(%dma_wait3A_191 : memref<256x64xf32, #tpu.memory_space<hbm>>)
      } else {
      }
      %dma_start3A_87 = arith.constant 0 : i32
      %dma_start3A_88 = arith.constant 0 : i32
      %dma_start3A_89 = tpu.memref_slice %arg2[%dma_start3A_87, %dma_start3A_88] : memref<1000000x64xf32, #tpu.memory_space<hbm>> -> memref<1000000x64xf32, #tpu.memory_space<hbm>>
      tpu.enqueue_indirect_dma source(%dma_start3A_89 : memref<1000000x64xf32, #tpu.memory_space<hbm>>) target(%arg8 : memref<256x64xf32, #tpu.memory_space<vmem>>) offsets(%arg6 : memref<256xi32, #tpu.memory_space<vmem>>) semaphore(%arg10 : memref<!tpu.dma_semaphore, #tpu.memory_space<semaphore_mem>>)
      %add3A_90 = arith.constant 1 : i32
      %add3A_91 = arith.addi %add3A_81, %add3A_90 : i32
      %lt3A_92 = arith.constant 54 : i32
      %lt3A_93 = arith.cmpi slt, %add3A_91, %lt3A_92 : i32
      %convert_element_type3A_94 = arith.extui %lt3A_93 : i1 to i32
      %cond3A_95 = arith.constant 0 : i32
      %cond3A_96 = arith.cmpi ne, %convert_element_type3A_94, %cond3A_95 : i32
      scf.if %cond3A_96 {
        %add3A_146 = arith.constant 1 : i32
        %add3A_147 = arith.addi %add3A_81, %add3A_146 : i32
        %jit3A_148 = arith.constant 27 : i32
        %div3A_149 = arith.divsi %add3A_147, %jit3A_148 : i32
        %sign3A_150 = arith.constant 0 : i32
        %sign3A_151 = arith.cmpi sgt, %add3A_147, %sign3A_150 : i32
        %sign3A_152 = arith.extui %sign3A_151 : i1 to i32
        %sign3A_153 = arith.constant 0 : i32
        %sign3A_154 = arith.cmpi slt, %add3A_147, %sign3A_153 : i32
        %sign3A_155 = arith.extui %sign3A_154 : i1 to i32
        %sign3A_156 = arith.subi %sign3A_152, %sign3A_155 : i32
        %sign3A_157 = arith.constant 0 : i32
        %sign3A_158 = arith.cmpi sgt, %jit3A_148, %sign3A_157 : i32
        %sign3A_159 = arith.extui %sign3A_158 : i1 to i32
        %sign3A_160 = arith.constant 0 : i32
        %sign3A_161 = arith.cmpi slt, %jit3A_148, %sign3A_160 : i32
        %sign3A_162 = arith.extui %sign3A_161 : i1 to i32
        %sign3A_163 = arith.subi %sign3A_159, %sign3A_162 : i32
        %ne3A_164 = arith.cmpi ne, %sign3A_156, %sign3A_163 : i32
        %rem3A_165 = arith.remsi %add3A_147, %jit3A_148 : i32
        %ne3A_166 = arith.constant 0 : i32
        %ne3A_167 = arith.cmpi ne, %rem3A_165, %ne3A_166 : i32
        %and3A_168 = arith.andi %ne3A_164, %ne3A_167 : i1
        %sub3A_169 = arith.constant 1 : i32
        %sub3A_170 = arith.subi %div3A_149, %sub3A_169 : i32
        %select_n3A_171 = arith.select %and3A_168, %sub3A_170, %div3A_149 : i32
        %jit3A_172 = arith.constant 27 : i32
        %eq3A_173 = arith.constant 0 : i32
        %eq3A_174 = arith.cmpi eq, %jit3A_172, %eq3A_173 : i32
        %jit3A_175 = arith.constant 1 : i32
        %select_n3A_176 = arith.select %eq3A_174, %jit3A_175, %jit3A_172 : i32
        %rem3A_177 = arith.remsi %add3A_147, %select_n3A_176 : i32
        %ne3A_178 = arith.constant 0 : i32
        %ne3A_179 = arith.cmpi ne, %rem3A_177, %ne3A_178 : i32
        %lt3A_180 = arith.constant 0 : i32
        %lt3A_181 = arith.cmpi slt, %rem3A_177, %lt3A_180 : i32
        %lt3A_182 = arith.constant 0 : i32
        %lt3A_183 = arith.cmpi slt, %select_n3A_176, %lt3A_182 : i32
        %ne3A_184 = arith.xori %lt3A_181, %lt3A_183 : i1
        %and3A_185 = arith.andi %ne3A_184, %ne3A_179 : i1
        %add3A_186 = arith.addi %rem3A_177, %select_n3A_176 : i32
        %select_n3A_187 = arith.select %and3A_185, %add3A_186, %rem3A_177 : i32
        %mul3A_188 = arith.constant 8192 : i32
        %mul3A_189 = arith.muli %select_n3A_171, %mul3A_188 : i32
        %add3A_190 = arith.addi %mul3A_189, %mul3A_2 : i32
        "tpu.region"() ({
          %run_scoped3A_191 = tpu.sem_alloc : memref<!tpu.dma_semaphore, #tpu.memory_space<semaphore_mem>>
          %dma_start3A_192 = tpu.memref_slice %arg3[%select_n3A_187, %add3A_190] : memref<27x16384xi32, #tpu.memory_space<hbm>> -> memref<1x256xi32, #tpu.memory_space<hbm>>
          %dma_start3A_193 = tpu.memref_squeeze %dma_start3A_192 : memref<1x256xi32, #tpu.memory_space<hbm>> -> memref<256xi32, #tpu.memory_space<hbm>>
          %dma_start3A_194 = tpu.memref_slice %arg3[%select_n3A_187, %add3A_190] : memref<27x16384xi32, #tpu.memory_space<hbm>> -> memref<1x256xi32, #tpu.memory_space<hbm>>
          %dma_start3A_195 = tpu.memref_squeeze %dma_start3A_194 : memref<1x256xi32, #tpu.memory_space<hbm>> -> memref<256xi32, #tpu.memory_space<hbm>>
          tpu.enqueue_dma source(%dma_start3A_195 : memref<256xi32, #tpu.memory_space<hbm>>) target(%arg5 : memref<256xi32, #tpu.memory_space<vmem>>) target_semaphore(%run_scoped3A_191 : memref<!tpu.dma_semaphore, #tpu.memory_space<semaphore_mem>>)
          %dma_wait3A_196 = tpu.memref_slice %arg3[%select_n3A_187, %add3A_190] : memref<27x16384xi32, #tpu.memory_space<hbm>> -> memref<1x256xi32, #tpu.memory_space<hbm>>
          %dma_wait3A_197 = tpu.memref_squeeze %dma_wait3A_196 : memref<1x256xi32, #tpu.memory_space<hbm>> -> memref<256xi32, #tpu.memory_space<hbm>>
          %dma_wait3A_198 = tpu.memref_slice %arg3[%select_n3A_187, %add3A_190] : memref<27x16384xi32, #tpu.memory_space<hbm>> -> memref<1x256xi32, #tpu.memory_space<hbm>>
          %dma_wait3A_199 = tpu.memref_squeeze %dma_wait3A_198 : memref<1x256xi32, #tpu.memory_space<hbm>> -> memref<256xi32, #tpu.memory_space<hbm>>
          tpu.wait_dma2 semaphore(%run_scoped3A_191 : memref<!tpu.dma_semaphore, #tpu.memory_space<semaphore_mem>>) src(%dma_wait3A_199 : memref<256xi32, #tpu.memory_space<hbm>>) dst(%arg5 : memref<256xi32, #tpu.memory_space<vmem>>)
          tpu.yield
        }) : () -> ()
      } else {
      }
      %dma_wait3A_97 = arith.constant 0 : i32
      %dma_wait3A_98 = arith.constant 0 : i32
      %dma_wait3A_99 = tpu.memref_slice %arg2[%dma_wait3A_97, %dma_wait3A_98] : memref<1000000x64xf32, #tpu.memory_space<hbm>> -> memref<1000000x64xf32, #tpu.memory_space<hbm>>
      tpu.wait_indirect_dma semaphore(%arg10 : memref<!tpu.dma_semaphore, #tpu.memory_space<semaphore_mem>>) src(%dma_wait3A_99 : memref<1000000x64xf32, #tpu.memory_space<hbm>>) dst(%arg8 : memref<256x64xf32, #tpu.memory_space<vmem>>)
      %jit3A_100 = arith.constant 27 : i32
      %div3A_101 = arith.divsi %add3A_81, %jit3A_100 : i32
      %sign3A_102 = arith.constant 0 : i32
      %sign3A_103 = arith.cmpi sgt, %add3A_81, %sign3A_102 : i32
      %sign3A_104 = arith.extui %sign3A_103 : i1 to i32
      %sign3A_105 = arith.constant 0 : i32
      %sign3A_106 = arith.cmpi slt, %add3A_81, %sign3A_105 : i32
      %sign3A_107 = arith.extui %sign3A_106 : i1 to i32
      %sign3A_108 = arith.subi %sign3A_104, %sign3A_107 : i32
      %sign3A_109 = arith.constant 0 : i32
      %sign3A_110 = arith.cmpi sgt, %jit3A_100, %sign3A_109 : i32
      %sign3A_111 = arith.extui %sign3A_110 : i1 to i32
      %sign3A_112 = arith.constant 0 : i32
      %sign3A_113 = arith.cmpi slt, %jit3A_100, %sign3A_112 : i32
      %sign3A_114 = arith.extui %sign3A_113 : i1 to i32
      %sign3A_115 = arith.subi %sign3A_111, %sign3A_114 : i32
      %ne3A_116 = arith.cmpi ne, %sign3A_108, %sign3A_115 : i32
      %rem3A_117 = arith.remsi %add3A_81, %jit3A_100 : i32
      %ne3A_118 = arith.constant 0 : i32
      %ne3A_119 = arith.cmpi ne, %rem3A_117, %ne3A_118 : i32
      %and3A_120 = arith.andi %ne3A_116, %ne3A_119 : i1
      %sub3A_121 = arith.constant 1 : i32
      %sub3A_122 = arith.subi %div3A_101, %sub3A_121 : i32
      %select_n3A_123 = arith.select %and3A_120, %sub3A_122, %div3A_101 : i32
      %jit3A_124 = arith.constant 27 : i32
      %eq3A_125 = arith.constant 0 : i32
      %eq3A_126 = arith.cmpi eq, %jit3A_124, %eq3A_125 : i32
      %jit3A_127 = arith.constant 1 : i32
      %select_n3A_128 = arith.select %eq3A_126, %jit3A_127, %jit3A_124 : i32
      %rem3A_129 = arith.remsi %add3A_81, %select_n3A_128 : i32
      %ne3A_130 = arith.constant 0 : i32
      %ne3A_131 = arith.cmpi ne, %rem3A_129, %ne3A_130 : i32
      %lt3A_132 = arith.constant 0 : i32
      %lt3A_133 = arith.cmpi slt, %rem3A_129, %lt3A_132 : i32
      %lt3A_134 = arith.constant 0 : i32
      %lt3A_135 = arith.cmpi slt, %select_n3A_128, %lt3A_134 : i32
      %ne3A_136 = arith.xori %lt3A_133, %lt3A_135 : i1
      %and3A_137 = arith.andi %ne3A_136, %ne3A_131 : i1
      %add3A_138 = arith.addi %rem3A_129, %select_n3A_128 : i32
      %select_n3A_139 = arith.select %and3A_137, %add3A_138, %rem3A_129 : i32
      %mul3A_140 = arith.constant 64 : i32
      %mul3A_141 = arith.muli %select_n3A_123, %mul3A_140 : i32
      %dma_start3A_142 = tpu.memref_slice %arg4[%select_n3A_139, %mul3A_2, %mul3A_141] : memref<27x8192x128xf32, #tpu.memory_space<hbm>> -> memref<1x256x64xf32, #tpu.memory_space<hbm>>
      %dma_start3A_143 = tpu.memref_squeeze %dma_start3A_142 : memref<1x256x64xf32, #tpu.memory_space<hbm>> -> memref<256x64xf32, #tpu.memory_space<hbm>>
      %dma_start3A_144 = tpu.memref_slice %arg4[%select_n3A_139, %mul3A_2, %mul3A_141] : memref<27x8192x128xf32, #tpu.memory_space<hbm>> -> memref<1x256x64xf32, #tpu.memory_space<hbm>>
      %dma_start3A_145 = tpu.memref_squeeze %dma_start3A_144 : memref<1x256x64xf32, #tpu.memory_space<hbm>> -> memref<256x64xf32, #tpu.memory_space<hbm>>
      tpu.enqueue_dma source(%arg8 : memref<256x64xf32, #tpu.memory_space<vmem>>) target(%dma_start3A_145 : memref<256x64xf32, #tpu.memory_space<hbm>>) target_semaphore(%arg12 : memref<!tpu.dma_semaphore, #tpu.memory_space<semaphore_mem>>)
    }
    %scan3A_9 = arith.constant 27 : i32
    %dma_wait3A = arith.constant 25 : i32
    %dma_wait3A_10 = arith.constant 64 : i32
    %dma_wait3A_11 = tpu.memref_slice %arg4[%dma_wait3A, %mul3A_2, %dma_wait3A_10] : memref<27x8192x128xf32, #tpu.memory_space<hbm>> -> memref<1x256x64xf32, #tpu.memory_space<hbm>>
    %dma_wait3A_12 = tpu.memref_squeeze %dma_wait3A_11 : memref<1x256x64xf32, #tpu.memory_space<hbm>> -> memref<256x64xf32, #tpu.memory_space<hbm>>
    %dma_wait3A_13 = arith.constant 64 : i32
    %dma_wait3A_14 = tpu.memref_slice %arg4[%dma_wait3A, %mul3A_2, %dma_wait3A_13] : memref<27x8192x128xf32, #tpu.memory_space<hbm>> -> memref<1x256x64xf32, #tpu.memory_space<hbm>>
    %dma_wait3A_15 = tpu.memref_squeeze %dma_wait3A_14 : memref<1x256x64xf32, #tpu.memory_space<hbm>> -> memref<256x64xf32, #tpu.memory_space<hbm>>
    tpu.wait_dma2 semaphore(%arg11 : memref<!tpu.dma_semaphore, #tpu.memory_space<semaphore_mem>>) src(%arg7 : memref<256x64xf32, #tpu.memory_space<vmem>>) dst(%dma_wait3A_15 : memref<256x64xf32, #tpu.memory_space<hbm>>)
    %dma_wait3A_16 = arith.constant 26 : i32
    %dma_wait3A_17 = arith.constant 64 : i32
    %dma_wait3A_18 = tpu.memref_slice %arg4[%dma_wait3A_16, %mul3A_2, %dma_wait3A_17] : memref<27x8192x128xf32, #tpu.memory_space<hbm>> -> memref<1x256x64xf32, #tpu.memory_space<hbm>>
    %dma_wait3A_19 = tpu.memref_squeeze %dma_wait3A_18 : memref<1x256x64xf32, #tpu.memory_space<hbm>> -> memref<256x64xf32, #tpu.memory_space<hbm>>
    %dma_wait3A_20 = arith.constant 64 : i32
    %dma_wait3A_21 = tpu.memref_slice %arg4[%dma_wait3A_16, %mul3A_2, %dma_wait3A_20] : memref<27x8192x128xf32, #tpu.memory_space<hbm>> -> memref<1x256x64xf32, #tpu.memory_space<hbm>>
    %dma_wait3A_22 = tpu.memref_squeeze %dma_wait3A_21 : memref<1x256x64xf32, #tpu.memory_space<hbm>> -> memref<256x64xf32, #tpu.memory_space<hbm>>
    tpu.wait_dma2 semaphore(%arg12 : memref<!tpu.dma_semaphore, #tpu.memory_space<semaphore_mem>>) src(%arg8 : memref<256x64xf32, #tpu.memory_space<vmem>>) dst(%dma_wait3A_22 : memref<256x64xf32, #tpu.memory_space<hbm>>)
    return
  }
}

module attributes {stable_mosaic.version = 14 : i64} {
  func.func @_tc_body(%arg0: i32, %arg1: memref<27x512x128xf32, #tpu.memory_space<vmem>>, %arg2: memref<512x128xf32, #tpu.memory_space<vmem>>, %arg3: memref<512x128xf32, #tpu.memory_space<vmem>>, %arg4: memref<512x128xf32, #tpu.memory_space<vmem>>, %arg5: memref<20x128x128xf32, #tpu.memory_space<vmem>>, %arg6: memref<20x128x128xf32, #tpu.memory_space<vmem>>, %arg7: memref<128x128xf32, #tpu.memory_space<vmem>>, %arg8: memref<128x128xf32, #tpu.memory_space<vmem>>, %arg9: memref<512x128xf32, #tpu.memory_space<vmem>>) attributes {dimension_semantics = [#tpu.dimension_semantics<arbitrary>], iteration_bounds = array<i64: 16>, scalar_prefetch = 0 : i64, scratch_operands = 0 : i64, tpu.core_type = #tpu.core_type<tc>, window_params = [{transform_indices = @transform_0, window_bounds = array<i64: 27, 512, 128>}, {transform_indices = @transform_1, window_bounds = array<i64: 512, 128>}, {transform_indices = @transform_2, window_bounds = array<i64: 512, 128>}, {transform_indices = @transform_3, window_bounds = array<i64: 512, 128>}, {pipeline_mode = #tpu.pipeline_mode<synchronous>, transform_indices = @transform_4, window_bounds = array<i64: 20, 128, 128>}, {pipeline_mode = #tpu.pipeline_mode<synchronous>, transform_indices = @transform_5, window_bounds = array<i64: 20, 128, 128>}, {pipeline_mode = #tpu.pipeline_mode<synchronous>, transform_indices = @transform_6, window_bounds = array<i64: 128, 128>}, {pipeline_mode = #tpu.pipeline_mode<synchronous>, transform_indices = @transform_7, window_bounds = array<i64: 128, 128>}, {transform_indices = @transform_8, window_bounds = array<i64: 512, 128>}]} {
    %get3A = arith.constant 0 : index
    %get3A_0 = arith.constant 0 : index
    %get3A_1 = arith.constant 0 : index
    %get3A_2 = vector.load %arg1[%get3A, %get3A_0, %get3A_1] : memref<27x512x128xf32, #tpu.memory_space<vmem>>, vector<1x512x128xf32>
    %get3A_3 = vector.shape_cast %get3A_2 : vector<1x512x128xf32> to vector<512x128xf32>
    %get3A_4 = arith.constant 1 : index
    %get3A_5 = arith.constant 0 : index
    %get3A_6 = arith.constant 0 : index
    %get3A_7 = vector.load %arg1[%get3A_4, %get3A_5, %get3A_6] : memref<27x512x128xf32, #tpu.memory_space<vmem>>, vector<1x512x128xf32>
    %get3A_8 = vector.shape_cast %get3A_7 : vector<1x512x128xf32> to vector<512x128xf32>
    %get3A_9 = arith.constant 0 : index
    %get3A_10 = arith.constant 0 : index
    %get3A_11 = vector.load %arg7[%get3A_9, %get3A_10] : memref<128x128xf32, #tpu.memory_space<vmem>>, vector<128x128xf32>
    %get3A_12 = arith.constant 0 : index
    %get3A_13 = arith.constant 0 : index
    %get3A_14 = vector.load %arg8[%get3A_12, %get3A_13] : memref<128x128xf32, #tpu.memory_space<vmem>>, vector<128x128xf32>
    %sub3A = arith.subf %get3A_3, %get3A_8 : vector<512x128xf32>
    %mul3A = arith.mulf %sub3A, %sub3A : vector<512x128xf32>
    %dot_general3A = arith.constant dense<0.000000e+00> : vector<512x128xf32>
    %dot_general3A_15 = tpu.matmul %mul3A, %get3A_11, %dot_general3A {dimension_numbers = #tpu.dot_dimension_numbers<[1], [0], [0], [1], [0, 0, 1, 1], [], []>, transpose_lhs_hint = false} : vector<512x128xf32>, vector<128x128xf32>, vector<512x128xf32> -> vector<512x128xf32>
    %neg3A = arith.constant 0.000000e+00 : f32
    %neg3A_16 = vector.broadcast %neg3A : f32 to vector<512x128xf32>
    %neg3A_17 = arith.subf %neg3A_16, %dot_general3A_15 : vector<512x128xf32>
    %broadcast_in_dim3A = arith.constant 0.000000e+00 : f32
    %broadcast_in_dim3A_18 = vector.broadcast %broadcast_in_dim3A : f32 to vector<512x128xf32>
    %broadcast_in_dim3A_19 = arith.constant 0.000000e+00 : f32
    %broadcast_in_dim3A_20 = vector.broadcast %broadcast_in_dim3A_19 : f32 to vector<512x128xf32>
    %get3A_21 = arith.constant 2 : index
    %get3A_22 = arith.constant 0 : index
    %get3A_23 = arith.constant 0 : index
    %get3A_24 = vector.load %arg1[%get3A_21, %get3A_22, %get3A_23] : memref<27x512x128xf32, #tpu.memory_space<vmem>>, vector<1x512x128xf32>
    %get3A_25 = vector.shape_cast %get3A_24 : vector<1x512x128xf32> to vector<512x128xf32>
    %sub3A_26 = arith.subf %get3A_3, %get3A_25 : vector<512x128xf32>
    %mul3A_27 = arith.mulf %sub3A_26, %sub3A_26 : vector<512x128xf32>
    %get3A_28 = arith.constant 0 : index
    %get3A_29 = arith.constant 0 : index
    %get3A_30 = arith.constant 0 : index
    %get3A_31 = vector.load %arg5[%get3A_28, %get3A_29, %get3A_30] : memref<20x128x128xf32, #tpu.memory_space<vmem>>, vector<1x128x128xf32>
    %get3A_32 = vector.shape_cast %get3A_31 : vector<1x128x128xf32> to vector<128x128xf32>
    %dot_general3A_33 = arith.constant dense<0.000000e+00> : vector<512x128xf32>
    %dot_general3A_34 = tpu.matmul %mul3A_27, %get3A_32, %dot_general3A_33 {dimension_numbers = #tpu.dot_dimension_numbers<[1], [0], [0], [1], [0, 0, 1, 1], [], []>, transpose_lhs_hint = false} : vector<512x128xf32>, vector<128x128xf32>, vector<512x128xf32> -> vector<512x128xf32>
    %add3A = arith.addf %broadcast_in_dim3A_18, %dot_general3A_34 : vector<512x128xf32>
    %mul3A_35 = arith.mulf %get3A_25, %get3A_25 : vector<512x128xf32>
    %get3A_36 = arith.constant 0 : index
    %get3A_37 = arith.constant 0 : index
    %get3A_38 = arith.constant 0 : index
    %get3A_39 = vector.load %arg5[%get3A_36, %get3A_37, %get3A_38] : memref<20x128x128xf32, #tpu.memory_space<vmem>>, vector<1x128x128xf32>
    %get3A_40 = vector.shape_cast %get3A_39 : vector<1x128x128xf32> to vector<128x128xf32>
    %dot_general3A_41 = arith.constant dense<0.000000e+00> : vector<512x128xf32>
    %dot_general3A_42 = tpu.matmul %mul3A_35, %get3A_40, %dot_general3A_41 {dimension_numbers = #tpu.dot_dimension_numbers<[1], [0], [0], [1], [0, 0, 1, 1], [], []>, transpose_lhs_hint = false} : vector<512x128xf32>, vector<128x128xf32>, vector<512x128xf32> -> vector<512x128xf32>
    %add3A_43 = arith.addf %broadcast_in_dim3A_20, %dot_general3A_42 : vector<512x128xf32>
    %get3A_44 = arith.constant 3 : index
    %get3A_45 = arith.constant 0 : index
    %get3A_46 = arith.constant 0 : index
    %get3A_47 = vector.load %arg1[%get3A_44, %get3A_45, %get3A_46] : memref<27x512x128xf32, #tpu.memory_space<vmem>>, vector<1x512x128xf32>
    %get3A_48 = vector.shape_cast %get3A_47 : vector<1x512x128xf32> to vector<512x128xf32>
    %sub3A_49 = arith.subf %get3A_3, %get3A_48 : vector<512x128xf32>
    %mul3A_50 = arith.mulf %sub3A_49, %sub3A_49 : vector<512x128xf32>
    %get3A_51 = arith.constant 1 : index
    %get3A_52 = arith.constant 0 : index
    %get3A_53 = arith.constant 0 : index
    %get3A_54 = vector.load %arg5[%get3A_51, %get3A_52, %get3A_53] : memref<20x128x128xf32, #tpu.memory_space<vmem>>, vector<1x128x128xf32>
    %get3A_55 = vector.shape_cast %get3A_54 : vector<1x128x128xf32> to vector<128x128xf32>
    %dot_general3A_56 = arith.constant dense<0.000000e+00> : vector<512x128xf32>
    %dot_general3A_57 = tpu.matmul %mul3A_50, %get3A_55, %dot_general3A_56 {dimension_numbers = #tpu.dot_dimension_numbers<[1], [0], [0], [1], [0, 0, 1, 1], [], []>, transpose_lhs_hint = false} : vector<512x128xf32>, vector<128x128xf32>, vector<512x128xf32> -> vector<512x128xf32>
    %add3A_58 = arith.addf %add3A, %dot_general3A_57 : vector<512x128xf32>
    %mul3A_59 = arith.mulf %get3A_48, %get3A_48 : vector<512x128xf32>
    %get3A_60 = arith.constant 1 : index
    %get3A_61 = arith.constant 0 : index
    %get3A_62 = arith.constant 0 : index
    %get3A_63 = vector.load %arg5[%get3A_60, %get3A_61, %get3A_62] : memref<20x128x128xf32, #tpu.memory_space<vmem>>, vector<1x128x128xf32>
    %get3A_64 = vector.shape_cast %get3A_63 : vector<1x128x128xf32> to vector<128x128xf32>
    %dot_general3A_65 = arith.constant dense<0.000000e+00> : vector<512x128xf32>
    %dot_general3A_66 = tpu.matmul %mul3A_59, %get3A_64, %dot_general3A_65 {dimension_numbers = #tpu.dot_dimension_numbers<[1], [0], [0], [1], [0, 0, 1, 1], [], []>, transpose_lhs_hint = false} : vector<512x128xf32>, vector<128x128xf32>, vector<512x128xf32> -> vector<512x128xf32>
    %add3A_67 = arith.addf %add3A_43, %dot_general3A_66 : vector<512x128xf32>
    %get3A_68 = arith.constant 4 : index
    %get3A_69 = arith.constant 0 : index
    %get3A_70 = arith.constant 0 : index
    %get3A_71 = vector.load %arg1[%get3A_68, %get3A_69, %get3A_70] : memref<27x512x128xf32, #tpu.memory_space<vmem>>, vector<1x512x128xf32>
    %get3A_72 = vector.shape_cast %get3A_71 : vector<1x512x128xf32> to vector<512x128xf32>
    %sub3A_73 = arith.subf %get3A_3, %get3A_72 : vector<512x128xf32>
    %mul3A_74 = arith.mulf %sub3A_73, %sub3A_73 : vector<512x128xf32>
    %get3A_75 = arith.constant 2 : index
    %get3A_76 = arith.constant 0 : index
    %get3A_77 = arith.constant 0 : index
    %get3A_78 = vector.load %arg5[%get3A_75, %get3A_76, %get3A_77] : memref<20x128x128xf32, #tpu.memory_space<vmem>>, vector<1x128x128xf32>
    %get3A_79 = vector.shape_cast %get3A_78 : vector<1x128x128xf32> to vector<128x128xf32>
    %dot_general3A_80 = arith.constant dense<0.000000e+00> : vector<512x128xf32>
    %dot_general3A_81 = tpu.matmul %mul3A_74, %get3A_79, %dot_general3A_80 {dimension_numbers = #tpu.dot_dimension_numbers<[1], [0], [0], [1], [0, 0, 1, 1], [], []>, transpose_lhs_hint = false} : vector<512x128xf32>, vector<128x128xf32>, vector<512x128xf32> -> vector<512x128xf32>
    %add3A_82 = arith.addf %add3A_58, %dot_general3A_81 : vector<512x128xf32>
    %mul3A_83 = arith.mulf %get3A_72, %get3A_72 : vector<512x128xf32>
    %get3A_84 = arith.constant 2 : index
    %get3A_85 = arith.constant 0 : index
    %get3A_86 = arith.constant 0 : index
    %get3A_87 = vector.load %arg5[%get3A_84, %get3A_85, %get3A_86] : memref<20x128x128xf32, #tpu.memory_space<vmem>>, vector<1x128x128xf32>
    %get3A_88 = vector.shape_cast %get3A_87 : vector<1x128x128xf32> to vector<128x128xf32>
    %dot_general3A_89 = arith.constant dense<0.000000e+00> : vector<512x128xf32>
    %dot_general3A_90 = tpu.matmul %mul3A_83, %get3A_88, %dot_general3A_89 {dimension_numbers = #tpu.dot_dimension_numbers<[1], [0], [0], [1], [0, 0, 1, 1], [], []>, transpose_lhs_hint = false} : vector<512x128xf32>, vector<128x128xf32>, vector<512x128xf32> -> vector<512x128xf32>
    %add3A_91 = arith.addf %add3A_67, %dot_general3A_90 : vector<512x128xf32>
    %get3A_92 = arith.constant 5 : index
    %get3A_93 = arith.constant 0 : index
    %get3A_94 = arith.constant 0 : index
    %get3A_95 = vector.load %arg1[%get3A_92, %get3A_93, %get3A_94] : memref<27x512x128xf32, #tpu.memory_space<vmem>>, vector<1x512x128xf32>
    %get3A_96 = vector.shape_cast %get3A_95 : vector<1x512x128xf32> to vector<512x128xf32>
    %sub3A_97 = arith.subf %get3A_3, %get3A_96 : vector<512x128xf32>
    %mul3A_98 = arith.mulf %sub3A_97, %sub3A_97 : vector<512x128xf32>
    %get3A_99 = arith.constant 3 : index
    %get3A_100 = arith.constant 0 : index
    %get3A_101 = arith.constant 0 : index
    %get3A_102 = vector.load %arg5[%get3A_99, %get3A_100, %get3A_101] : memref<20x128x128xf32, #tpu.memory_space<vmem>>, vector<1x128x128xf32>
    %get3A_103 = vector.shape_cast %get3A_102 : vector<1x128x128xf32> to vector<128x128xf32>
    %dot_general3A_104 = arith.constant dense<0.000000e+00> : vector<512x128xf32>
    %dot_general3A_105 = tpu.matmul %mul3A_98, %get3A_103, %dot_general3A_104 {dimension_numbers = #tpu.dot_dimension_numbers<[1], [0], [0], [1], [0, 0, 1, 1], [], []>, transpose_lhs_hint = false} : vector<512x128xf32>, vector<128x128xf32>, vector<512x128xf32> -> vector<512x128xf32>
    %add3A_106 = arith.addf %add3A_82, %dot_general3A_105 : vector<512x128xf32>
    %mul3A_107 = arith.mulf %get3A_96, %get3A_96 : vector<512x128xf32>
    %get3A_108 = arith.constant 3 : index
    %get3A_109 = arith.constant 0 : index
    %get3A_110 = arith.constant 0 : index
    %get3A_111 = vector.load %arg5[%get3A_108, %get3A_109, %get3A_110] : memref<20x128x128xf32, #tpu.memory_space<vmem>>, vector<1x128x128xf32>
    %get3A_112 = vector.shape_cast %get3A_111 : vector<1x128x128xf32> to vector<128x128xf32>
    %dot_general3A_113 = arith.constant dense<0.000000e+00> : vector<512x128xf32>
    %dot_general3A_114 = tpu.matmul %mul3A_107, %get3A_112, %dot_general3A_113 {dimension_numbers = #tpu.dot_dimension_numbers<[1], [0], [0], [1], [0, 0, 1, 1], [], []>, transpose_lhs_hint = false} : vector<512x128xf32>, vector<128x128xf32>, vector<512x128xf32> -> vector<512x128xf32>
    %add3A_115 = arith.addf %add3A_91, %dot_general3A_114 : vector<512x128xf32>
    %get3A_116 = arith.constant 6 : index
    %get3A_117 = arith.constant 0 : index
    %get3A_118 = arith.constant 0 : index
    %get3A_119 = vector.load %arg1[%get3A_116, %get3A_117, %get3A_118] : memref<27x512x128xf32, #tpu.memory_space<vmem>>, vector<1x512x128xf32>
    %get3A_120 = vector.shape_cast %get3A_119 : vector<1x512x128xf32> to vector<512x128xf32>
    %sub3A_121 = arith.subf %get3A_3, %get3A_120 : vector<512x128xf32>
    %mul3A_122 = arith.mulf %sub3A_121, %sub3A_121 : vector<512x128xf32>
    %get3A_123 = arith.constant 4 : index
    %get3A_124 = arith.constant 0 : index
    %get3A_125 = arith.constant 0 : index
    %get3A_126 = vector.load %arg5[%get3A_123, %get3A_124, %get3A_125] : memref<20x128x128xf32, #tpu.memory_space<vmem>>, vector<1x128x128xf32>
    %get3A_127 = vector.shape_cast %get3A_126 : vector<1x128x128xf32> to vector<128x128xf32>
    %dot_general3A_128 = arith.constant dense<0.000000e+00> : vector<512x128xf32>
    %dot_general3A_129 = tpu.matmul %mul3A_122, %get3A_127, %dot_general3A_128 {dimension_numbers = #tpu.dot_dimension_numbers<[1], [0], [0], [1], [0, 0, 1, 1], [], []>, transpose_lhs_hint = false} : vector<512x128xf32>, vector<128x128xf32>, vector<512x128xf32> -> vector<512x128xf32>
    %add3A_130 = arith.addf %add3A_106, %dot_general3A_129 : vector<512x128xf32>
    %mul3A_131 = arith.mulf %get3A_120, %get3A_120 : vector<512x128xf32>
    %get3A_132 = arith.constant 4 : index
    %get3A_133 = arith.constant 0 : index
    %get3A_134 = arith.constant 0 : index
    %get3A_135 = vector.load %arg5[%get3A_132, %get3A_133, %get3A_134] : memref<20x128x128xf32, #tpu.memory_space<vmem>>, vector<1x128x128xf32>
    %get3A_136 = vector.shape_cast %get3A_135 : vector<1x128x128xf32> to vector<128x128xf32>
    %dot_general3A_137 = arith.constant dense<0.000000e+00> : vector<512x128xf32>
    %dot_general3A_138 = tpu.matmul %mul3A_131, %get3A_136, %dot_general3A_137 {dimension_numbers = #tpu.dot_dimension_numbers<[1], [0], [0], [1], [0, 0, 1, 1], [], []>, transpose_lhs_hint = false} : vector<512x128xf32>, vector<128x128xf32>, vector<512x128xf32> -> vector<512x128xf32>
    %add3A_139 = arith.addf %add3A_115, %dot_general3A_138 : vector<512x128xf32>
    %get3A_140 = arith.constant 7 : index
    %get3A_141 = arith.constant 0 : index
    %get3A_142 = arith.constant 0 : index
    %get3A_143 = vector.load %arg1[%get3A_140, %get3A_141, %get3A_142] : memref<27x512x128xf32, #tpu.memory_space<vmem>>, vector<1x512x128xf32>
    %get3A_144 = vector.shape_cast %get3A_143 : vector<1x512x128xf32> to vector<512x128xf32>
    %sub3A_145 = arith.subf %get3A_3, %get3A_144 : vector<512x128xf32>
    %mul3A_146 = arith.mulf %sub3A_145, %sub3A_145 : vector<512x128xf32>
    %get3A_147 = arith.constant 5 : index
    %get3A_148 = arith.constant 0 : index
    %get3A_149 = arith.constant 0 : index
    %get3A_150 = vector.load %arg5[%get3A_147, %get3A_148, %get3A_149] : memref<20x128x128xf32, #tpu.memory_space<vmem>>, vector<1x128x128xf32>
    %get3A_151 = vector.shape_cast %get3A_150 : vector<1x128x128xf32> to vector<128x128xf32>
    %dot_general3A_152 = arith.constant dense<0.000000e+00> : vector<512x128xf32>
    %dot_general3A_153 = tpu.matmul %mul3A_146, %get3A_151, %dot_general3A_152 {dimension_numbers = #tpu.dot_dimension_numbers<[1], [0], [0], [1], [0, 0, 1, 1], [], []>, transpose_lhs_hint = false} : vector<512x128xf32>, vector<128x128xf32>, vector<512x128xf32> -> vector<512x128xf32>
    %add3A_154 = arith.addf %add3A_130, %dot_general3A_153 : vector<512x128xf32>
    %mul3A_155 = arith.mulf %get3A_144, %get3A_144 : vector<512x128xf32>
    %get3A_156 = arith.constant 5 : index
    %get3A_157 = arith.constant 0 : index
    %get3A_158 = arith.constant 0 : index
    %get3A_159 = vector.load %arg5[%get3A_156, %get3A_157, %get3A_158] : memref<20x128x128xf32, #tpu.memory_space<vmem>>, vector<1x128x128xf32>
    %get3A_160 = vector.shape_cast %get3A_159 : vector<1x128x128xf32> to vector<128x128xf32>
    %dot_general3A_161 = arith.constant dense<0.000000e+00> : vector<512x128xf32>
    %dot_general3A_162 = tpu.matmul %mul3A_155, %get3A_160, %dot_general3A_161 {dimension_numbers = #tpu.dot_dimension_numbers<[1], [0], [0], [1], [0, 0, 1, 1], [], []>, transpose_lhs_hint = false} : vector<512x128xf32>, vector<128x128xf32>, vector<512x128xf32> -> vector<512x128xf32>
    %add3A_163 = arith.addf %add3A_139, %dot_general3A_162 : vector<512x128xf32>
    %get3A_164 = arith.constant 8 : index
    %get3A_165 = arith.constant 0 : index
    %get3A_166 = arith.constant 0 : index
    %get3A_167 = vector.load %arg1[%get3A_164, %get3A_165, %get3A_166] : memref<27x512x128xf32, #tpu.memory_space<vmem>>, vector<1x512x128xf32>
    %get3A_168 = vector.shape_cast %get3A_167 : vector<1x512x128xf32> to vector<512x128xf32>
    %sub3A_169 = arith.subf %get3A_3, %get3A_168 : vector<512x128xf32>
    %mul3A_170 = arith.mulf %sub3A_169, %sub3A_169 : vector<512x128xf32>
    %get3A_171 = arith.constant 6 : index
    %get3A_172 = arith.constant 0 : index
    %get3A_173 = arith.constant 0 : index
    %get3A_174 = vector.load %arg5[%get3A_171, %get3A_172, %get3A_173] : memref<20x128x128xf32, #tpu.memory_space<vmem>>, vector<1x128x128xf32>
    %get3A_175 = vector.shape_cast %get3A_174 : vector<1x128x128xf32> to vector<128x128xf32>
    %dot_general3A_176 = arith.constant dense<0.000000e+00> : vector<512x128xf32>
    %dot_general3A_177 = tpu.matmul %mul3A_170, %get3A_175, %dot_general3A_176 {dimension_numbers = #tpu.dot_dimension_numbers<[1], [0], [0], [1], [0, 0, 1, 1], [], []>, transpose_lhs_hint = false} : vector<512x128xf32>, vector<128x128xf32>, vector<512x128xf32> -> vector<512x128xf32>
    %add3A_178 = arith.addf %add3A_154, %dot_general3A_177 : vector<512x128xf32>
    %mul3A_179 = arith.mulf %get3A_168, %get3A_168 : vector<512x128xf32>
    %get3A_180 = arith.constant 6 : index
    %get3A_181 = arith.constant 0 : index
    %get3A_182 = arith.constant 0 : index
    %get3A_183 = vector.load %arg5[%get3A_180, %get3A_181, %get3A_182] : memref<20x128x128xf32, #tpu.memory_space<vmem>>, vector<1x128x128xf32>
    %get3A_184 = vector.shape_cast %get3A_183 : vector<1x128x128xf32> to vector<128x128xf32>
    %dot_general3A_185 = arith.constant dense<0.000000e+00> : vector<512x128xf32>
    %dot_general3A_186 = tpu.matmul %mul3A_179, %get3A_184, %dot_general3A_185 {dimension_numbers = #tpu.dot_dimension_numbers<[1], [0], [0], [1], [0, 0, 1, 1], [], []>, transpose_lhs_hint = false} : vector<512x128xf32>, vector<128x128xf32>, vector<512x128xf32> -> vector<512x128xf32>
    %add3A_187 = arith.addf %add3A_163, %dot_general3A_186 : vector<512x128xf32>
    %get3A_188 = arith.constant 9 : index
    %get3A_189 = arith.constant 0 : index
    %get3A_190 = arith.constant 0 : index
    %get3A_191 = vector.load %arg1[%get3A_188, %get3A_189, %get3A_190] : memref<27x512x128xf32, #tpu.memory_space<vmem>>, vector<1x512x128xf32>
    %get3A_192 = vector.shape_cast %get3A_191 : vector<1x512x128xf32> to vector<512x128xf32>
    %sub3A_193 = arith.subf %get3A_3, %get3A_192 : vector<512x128xf32>
    %mul3A_194 = arith.mulf %sub3A_193, %sub3A_193 : vector<512x128xf32>
    %get3A_195 = arith.constant 7 : index
    %get3A_196 = arith.constant 0 : index
    %get3A_197 = arith.constant 0 : index
    %get3A_198 = vector.load %arg5[%get3A_195, %get3A_196, %get3A_197] : memref<20x128x128xf32, #tpu.memory_space<vmem>>, vector<1x128x128xf32>
    %get3A_199 = vector.shape_cast %get3A_198 : vector<1x128x128xf32> to vector<128x128xf32>
    %dot_general3A_200 = arith.constant dense<0.000000e+00> : vector<512x128xf32>
    %dot_general3A_201 = tpu.matmul %mul3A_194, %get3A_199, %dot_general3A_200 {dimension_numbers = #tpu.dot_dimension_numbers<[1], [0], [0], [1], [0, 0, 1, 1], [], []>, transpose_lhs_hint = false} : vector<512x128xf32>, vector<128x128xf32>, vector<512x128xf32> -> vector<512x128xf32>
    %add3A_202 = arith.addf %add3A_178, %dot_general3A_201 : vector<512x128xf32>
    %mul3A_203 = arith.mulf %get3A_192, %get3A_192 : vector<512x128xf32>
    %get3A_204 = arith.constant 7 : index
    %get3A_205 = arith.constant 0 : index
    %get3A_206 = arith.constant 0 : index
    %get3A_207 = vector.load %arg5[%get3A_204, %get3A_205, %get3A_206] : memref<20x128x128xf32, #tpu.memory_space<vmem>>, vector<1x128x128xf32>
    %get3A_208 = vector.shape_cast %get3A_207 : vector<1x128x128xf32> to vector<128x128xf32>
    %dot_general3A_209 = arith.constant dense<0.000000e+00> : vector<512x128xf32>
    %dot_general3A_210 = tpu.matmul %mul3A_203, %get3A_208, %dot_general3A_209 {dimension_numbers = #tpu.dot_dimension_numbers<[1], [0], [0], [1], [0, 0, 1, 1], [], []>, transpose_lhs_hint = false} : vector<512x128xf32>, vector<128x128xf32>, vector<512x128xf32> -> vector<512x128xf32>
    %add3A_211 = arith.addf %add3A_187, %dot_general3A_210 : vector<512x128xf32>
    %get3A_212 = arith.constant 10 : index
    %get3A_213 = arith.constant 0 : index
    %get3A_214 = arith.constant 0 : index
    %get3A_215 = vector.load %arg1[%get3A_212, %get3A_213, %get3A_214] : memref<27x512x128xf32, #tpu.memory_space<vmem>>, vector<1x512x128xf32>
    %get3A_216 = vector.shape_cast %get3A_215 : vector<1x512x128xf32> to vector<512x128xf32>
    %sub3A_217 = arith.subf %get3A_3, %get3A_216 : vector<512x128xf32>
    %mul3A_218 = arith.mulf %sub3A_217, %sub3A_217 : vector<512x128xf32>
    %get3A_219 = arith.constant 8 : index
    %get3A_220 = arith.constant 0 : index
    %get3A_221 = arith.constant 0 : index
    %get3A_222 = vector.load %arg5[%get3A_219, %get3A_220, %get3A_221] : memref<20x128x128xf32, #tpu.memory_space<vmem>>, vector<1x128x128xf32>
    %get3A_223 = vector.shape_cast %get3A_222 : vector<1x128x128xf32> to vector<128x128xf32>
    %dot_general3A_224 = arith.constant dense<0.000000e+00> : vector<512x128xf32>
    %dot_general3A_225 = tpu.matmul %mul3A_218, %get3A_223, %dot_general3A_224 {dimension_numbers = #tpu.dot_dimension_numbers<[1], [0], [0], [1], [0, 0, 1, 1], [], []>, transpose_lhs_hint = false} : vector<512x128xf32>, vector<128x128xf32>, vector<512x128xf32> -> vector<512x128xf32>
    %add3A_226 = arith.addf %add3A_202, %dot_general3A_225 : vector<512x128xf32>
    %mul3A_227 = arith.mulf %get3A_216, %get3A_216 : vector<512x128xf32>
    %get3A_228 = arith.constant 8 : index
    %get3A_229 = arith.constant 0 : index
    %get3A_230 = arith.constant 0 : index
    %get3A_231 = vector.load %arg5[%get3A_228, %get3A_229, %get3A_230] : memref<20x128x128xf32, #tpu.memory_space<vmem>>, vector<1x128x128xf32>
    %get3A_232 = vector.shape_cast %get3A_231 : vector<1x128x128xf32> to vector<128x128xf32>
    %dot_general3A_233 = arith.constant dense<0.000000e+00> : vector<512x128xf32>
    %dot_general3A_234 = tpu.matmul %mul3A_227, %get3A_232, %dot_general3A_233 {dimension_numbers = #tpu.dot_dimension_numbers<[1], [0], [0], [1], [0, 0, 1, 1], [], []>, transpose_lhs_hint = false} : vector<512x128xf32>, vector<128x128xf32>, vector<512x128xf32> -> vector<512x128xf32>
    %add3A_235 = arith.addf %add3A_211, %dot_general3A_234 : vector<512x128xf32>
    %get3A_236 = arith.constant 11 : index
    %get3A_237 = arith.constant 0 : index
    %get3A_238 = arith.constant 0 : index
    %get3A_239 = vector.load %arg1[%get3A_236, %get3A_237, %get3A_238] : memref<27x512x128xf32, #tpu.memory_space<vmem>>, vector<1x512x128xf32>
    %get3A_240 = vector.shape_cast %get3A_239 : vector<1x512x128xf32> to vector<512x128xf32>
    %sub3A_241 = arith.subf %get3A_3, %get3A_240 : vector<512x128xf32>
    %mul3A_242 = arith.mulf %sub3A_241, %sub3A_241 : vector<512x128xf32>
    %get3A_243 = arith.constant 9 : index
    %get3A_244 = arith.constant 0 : index
    %get3A_245 = arith.constant 0 : index
    %get3A_246 = vector.load %arg5[%get3A_243, %get3A_244, %get3A_245] : memref<20x128x128xf32, #tpu.memory_space<vmem>>, vector<1x128x128xf32>
    %get3A_247 = vector.shape_cast %get3A_246 : vector<1x128x128xf32> to vector<128x128xf32>
    %dot_general3A_248 = arith.constant dense<0.000000e+00> : vector<512x128xf32>
    %dot_general3A_249 = tpu.matmul %mul3A_242, %get3A_247, %dot_general3A_248 {dimension_numbers = #tpu.dot_dimension_numbers<[1], [0], [0], [1], [0, 0, 1, 1], [], []>, transpose_lhs_hint = false} : vector<512x128xf32>, vector<128x128xf32>, vector<512x128xf32> -> vector<512x128xf32>
    %add3A_250 = arith.addf %add3A_226, %dot_general3A_249 : vector<512x128xf32>
    %mul3A_251 = arith.mulf %get3A_240, %get3A_240 : vector<512x128xf32>
    %get3A_252 = arith.constant 9 : index
    %get3A_253 = arith.constant 0 : index
    %get3A_254 = arith.constant 0 : index
    %get3A_255 = vector.load %arg5[%get3A_252, %get3A_253, %get3A_254] : memref<20x128x128xf32, #tpu.memory_space<vmem>>, vector<1x128x128xf32>
    %get3A_256 = vector.shape_cast %get3A_255 : vector<1x128x128xf32> to vector<128x128xf32>
    %dot_general3A_257 = arith.constant dense<0.000000e+00> : vector<512x128xf32>
    %dot_general3A_258 = tpu.matmul %mul3A_251, %get3A_256, %dot_general3A_257 {dimension_numbers = #tpu.dot_dimension_numbers<[1], [0], [0], [1], [0, 0, 1, 1], [], []>, transpose_lhs_hint = false} : vector<512x128xf32>, vector<128x128xf32>, vector<512x128xf32> -> vector<512x128xf32>
    %add3A_259 = arith.addf %add3A_235, %dot_general3A_258 : vector<512x128xf32>
    %get3A_260 = arith.constant 12 : index
    %get3A_261 = arith.constant 0 : index
    %get3A_262 = arith.constant 0 : index
    %get3A_263 = vector.load %arg1[%get3A_260, %get3A_261, %get3A_262] : memref<27x512x128xf32, #tpu.memory_space<vmem>>, vector<1x512x128xf32>
    %get3A_264 = vector.shape_cast %get3A_263 : vector<1x512x128xf32> to vector<512x128xf32>
    %sub3A_265 = arith.subf %get3A_3, %get3A_264 : vector<512x128xf32>
    %mul3A_266 = arith.mulf %sub3A_265, %sub3A_265 : vector<512x128xf32>
    %get3A_267 = arith.constant 10 : index
    %get3A_268 = arith.constant 0 : index
    %get3A_269 = arith.constant 0 : index
    %get3A_270 = vector.load %arg5[%get3A_267, %get3A_268, %get3A_269] : memref<20x128x128xf32, #tpu.memory_space<vmem>>, vector<1x128x128xf32>
    %get3A_271 = vector.shape_cast %get3A_270 : vector<1x128x128xf32> to vector<128x128xf32>
    %dot_general3A_272 = arith.constant dense<0.000000e+00> : vector<512x128xf32>
    %dot_general3A_273 = tpu.matmul %mul3A_266, %get3A_271, %dot_general3A_272 {dimension_numbers = #tpu.dot_dimension_numbers<[1], [0], [0], [1], [0, 0, 1, 1], [], []>, transpose_lhs_hint = false} : vector<512x128xf32>, vector<128x128xf32>, vector<512x128xf32> -> vector<512x128xf32>
    %add3A_274 = arith.addf %add3A_250, %dot_general3A_273 : vector<512x128xf32>
    %mul3A_275 = arith.mulf %get3A_264, %get3A_264 : vector<512x128xf32>
    %get3A_276 = arith.constant 10 : index
    %get3A_277 = arith.constant 0 : index
    %get3A_278 = arith.constant 0 : index
    %get3A_279 = vector.load %arg5[%get3A_276, %get3A_277, %get3A_278] : memref<20x128x128xf32, #tpu.memory_space<vmem>>, vector<1x128x128xf32>
    %get3A_280 = vector.shape_cast %get3A_279 : vector<1x128x128xf32> to vector<128x128xf32>
    %dot_general3A_281 = arith.constant dense<0.000000e+00> : vector<512x128xf32>
    %dot_general3A_282 = tpu.matmul %mul3A_275, %get3A_280, %dot_general3A_281 {dimension_numbers = #tpu.dot_dimension_numbers<[1], [0], [0], [1], [0, 0, 1, 1], [], []>, transpose_lhs_hint = false} : vector<512x128xf32>, vector<128x128xf32>, vector<512x128xf32> -> vector<512x128xf32>
    %add3A_283 = arith.addf %add3A_259, %dot_general3A_282 : vector<512x128xf32>
    %get3A_284 = arith.constant 13 : index
    %get3A_285 = arith.constant 0 : index
    %get3A_286 = arith.constant 0 : index
    %get3A_287 = vector.load %arg1[%get3A_284, %get3A_285, %get3A_286] : memref<27x512x128xf32, #tpu.memory_space<vmem>>, vector<1x512x128xf32>
    %get3A_288 = vector.shape_cast %get3A_287 : vector<1x512x128xf32> to vector<512x128xf32>
    %sub3A_289 = arith.subf %get3A_3, %get3A_288 : vector<512x128xf32>
    %mul3A_290 = arith.mulf %sub3A_289, %sub3A_289 : vector<512x128xf32>
    %get3A_291 = arith.constant 11 : index
    %get3A_292 = arith.constant 0 : index
    %get3A_293 = arith.constant 0 : index
    %get3A_294 = vector.load %arg5[%get3A_291, %get3A_292, %get3A_293] : memref<20x128x128xf32, #tpu.memory_space<vmem>>, vector<1x128x128xf32>
    %get3A_295 = vector.shape_cast %get3A_294 : vector<1x128x128xf32> to vector<128x128xf32>
    %dot_general3A_296 = arith.constant dense<0.000000e+00> : vector<512x128xf32>
    %dot_general3A_297 = tpu.matmul %mul3A_290, %get3A_295, %dot_general3A_296 {dimension_numbers = #tpu.dot_dimension_numbers<[1], [0], [0], [1], [0, 0, 1, 1], [], []>, transpose_lhs_hint = false} : vector<512x128xf32>, vector<128x128xf32>, vector<512x128xf32> -> vector<512x128xf32>
    %add3A_298 = arith.addf %add3A_274, %dot_general3A_297 : vector<512x128xf32>
    %mul3A_299 = arith.mulf %get3A_288, %get3A_288 : vector<512x128xf32>
    %get3A_300 = arith.constant 11 : index
    %get3A_301 = arith.constant 0 : index
    %get3A_302 = arith.constant 0 : index
    %get3A_303 = vector.load %arg5[%get3A_300, %get3A_301, %get3A_302] : memref<20x128x128xf32, #tpu.memory_space<vmem>>, vector<1x128x128xf32>
    %get3A_304 = vector.shape_cast %get3A_303 : vector<1x128x128xf32> to vector<128x128xf32>
    %dot_general3A_305 = arith.constant dense<0.000000e+00> : vector<512x128xf32>
    %dot_general3A_306 = tpu.matmul %mul3A_299, %get3A_304, %dot_general3A_305 {dimension_numbers = #tpu.dot_dimension_numbers<[1], [0], [0], [1], [0, 0, 1, 1], [], []>, transpose_lhs_hint = false} : vector<512x128xf32>, vector<128x128xf32>, vector<512x128xf32> -> vector<512x128xf32>
    %add3A_307 = arith.addf %add3A_283, %dot_general3A_306 : vector<512x128xf32>
    %get3A_308 = arith.constant 14 : index
    %get3A_309 = arith.constant 0 : index
    %get3A_310 = arith.constant 0 : index
    %get3A_311 = vector.load %arg1[%get3A_308, %get3A_309, %get3A_310] : memref<27x512x128xf32, #tpu.memory_space<vmem>>, vector<1x512x128xf32>
    %get3A_312 = vector.shape_cast %get3A_311 : vector<1x512x128xf32> to vector<512x128xf32>
    %sub3A_313 = arith.subf %get3A_3, %get3A_312 : vector<512x128xf32>
    %mul3A_314 = arith.mulf %sub3A_313, %sub3A_313 : vector<512x128xf32>
    %get3A_315 = arith.constant 12 : index
    %get3A_316 = arith.constant 0 : index
    %get3A_317 = arith.constant 0 : index
    %get3A_318 = vector.load %arg5[%get3A_315, %get3A_316, %get3A_317] : memref<20x128x128xf32, #tpu.memory_space<vmem>>, vector<1x128x128xf32>
    %get3A_319 = vector.shape_cast %get3A_318 : vector<1x128x128xf32> to vector<128x128xf32>
    %dot_general3A_320 = arith.constant dense<0.000000e+00> : vector<512x128xf32>
    %dot_general3A_321 = tpu.matmul %mul3A_314, %get3A_319, %dot_general3A_320 {dimension_numbers = #tpu.dot_dimension_numbers<[1], [0], [0], [1], [0, 0, 1, 1], [], []>, transpose_lhs_hint = false} : vector<512x128xf32>, vector<128x128xf32>, vector<512x128xf32> -> vector<512x128xf32>
    %add3A_322 = arith.addf %add3A_298, %dot_general3A_321 : vector<512x128xf32>
    %mul3A_323 = arith.mulf %get3A_312, %get3A_312 : vector<512x128xf32>
    %get3A_324 = arith.constant 12 : index
    %get3A_325 = arith.constant 0 : index
    %get3A_326 = arith.constant 0 : index
    %get3A_327 = vector.load %arg5[%get3A_324, %get3A_325, %get3A_326] : memref<20x128x128xf32, #tpu.memory_space<vmem>>, vector<1x128x128xf32>
    %get3A_328 = vector.shape_cast %get3A_327 : vector<1x128x128xf32> to vector<128x128xf32>
    %dot_general3A_329 = arith.constant dense<0.000000e+00> : vector<512x128xf32>
    %dot_general3A_330 = tpu.matmul %mul3A_323, %get3A_328, %dot_general3A_329 {dimension_numbers = #tpu.dot_dimension_numbers<[1], [0], [0], [1], [0, 0, 1, 1], [], []>, transpose_lhs_hint = false} : vector<512x128xf32>, vector<128x128xf32>, vector<512x128xf32> -> vector<512x128xf32>
    %add3A_331 = arith.addf %add3A_307, %dot_general3A_330 : vector<512x128xf32>
    %get3A_332 = arith.constant 15 : index
    %get3A_333 = arith.constant 0 : index
    %get3A_334 = arith.constant 0 : index
    %get3A_335 = vector.load %arg1[%get3A_332, %get3A_333, %get3A_334] : memref<27x512x128xf32, #tpu.memory_space<vmem>>, vector<1x512x128xf32>
    %get3A_336 = vector.shape_cast %get3A_335 : vector<1x512x128xf32> to vector<512x128xf32>
    %sub3A_337 = arith.subf %get3A_3, %get3A_336 : vector<512x128xf32>
    %mul3A_338 = arith.mulf %sub3A_337, %sub3A_337 : vector<512x128xf32>
    %get3A_339 = arith.constant 13 : index
    %get3A_340 = arith.constant 0 : index
    %get3A_341 = arith.constant 0 : index
    %get3A_342 = vector.load %arg5[%get3A_339, %get3A_340, %get3A_341] : memref<20x128x128xf32, #tpu.memory_space<vmem>>, vector<1x128x128xf32>
    %get3A_343 = vector.shape_cast %get3A_342 : vector<1x128x128xf32> to vector<128x128xf32>
    %dot_general3A_344 = arith.constant dense<0.000000e+00> : vector<512x128xf32>
    %dot_general3A_345 = tpu.matmul %mul3A_338, %get3A_343, %dot_general3A_344 {dimension_numbers = #tpu.dot_dimension_numbers<[1], [0], [0], [1], [0, 0, 1, 1], [], []>, transpose_lhs_hint = false} : vector<512x128xf32>, vector<128x128xf32>, vector<512x128xf32> -> vector<512x128xf32>
    %add3A_346 = arith.addf %add3A_322, %dot_general3A_345 : vector<512x128xf32>
    %mul3A_347 = arith.mulf %get3A_336, %get3A_336 : vector<512x128xf32>
    %get3A_348 = arith.constant 13 : index
    %get3A_349 = arith.constant 0 : index
    %get3A_350 = arith.constant 0 : index
    %get3A_351 = vector.load %arg5[%get3A_348, %get3A_349, %get3A_350] : memref<20x128x128xf32, #tpu.memory_space<vmem>>, vector<1x128x128xf32>
    %get3A_352 = vector.shape_cast %get3A_351 : vector<1x128x128xf32> to vector<128x128xf32>
    %dot_general3A_353 = arith.constant dense<0.000000e+00> : vector<512x128xf32>
    %dot_general3A_354 = tpu.matmul %mul3A_347, %get3A_352, %dot_general3A_353 {dimension_numbers = #tpu.dot_dimension_numbers<[1], [0], [0], [1], [0, 0, 1, 1], [], []>, transpose_lhs_hint = false} : vector<512x128xf32>, vector<128x128xf32>, vector<512x128xf32> -> vector<512x128xf32>
    %add3A_355 = arith.addf %add3A_331, %dot_general3A_354 : vector<512x128xf32>
    %get3A_356 = arith.constant 16 : index
    %get3A_357 = arith.constant 0 : index
    %get3A_358 = arith.constant 0 : index
    %get3A_359 = vector.load %arg1[%get3A_356, %get3A_357, %get3A_358] : memref<27x512x128xf32, #tpu.memory_space<vmem>>, vector<1x512x128xf32>
    %get3A_360 = vector.shape_cast %get3A_359 : vector<1x512x128xf32> to vector<512x128xf32>
    %sub3A_361 = arith.subf %get3A_3, %get3A_360 : vector<512x128xf32>
    %mul3A_362 = arith.mulf %sub3A_361, %sub3A_361 : vector<512x128xf32>
    %get3A_363 = arith.constant 14 : index
    %get3A_364 = arith.constant 0 : index
    %get3A_365 = arith.constant 0 : index
    %get3A_366 = vector.load %arg5[%get3A_363, %get3A_364, %get3A_365] : memref<20x128x128xf32, #tpu.memory_space<vmem>>, vector<1x128x128xf32>
    %get3A_367 = vector.shape_cast %get3A_366 : vector<1x128x128xf32> to vector<128x128xf32>
    %dot_general3A_368 = arith.constant dense<0.000000e+00> : vector<512x128xf32>
    %dot_general3A_369 = tpu.matmul %mul3A_362, %get3A_367, %dot_general3A_368 {dimension_numbers = #tpu.dot_dimension_numbers<[1], [0], [0], [1], [0, 0, 1, 1], [], []>, transpose_lhs_hint = false} : vector<512x128xf32>, vector<128x128xf32>, vector<512x128xf32> -> vector<512x128xf32>
    %add3A_370 = arith.addf %add3A_346, %dot_general3A_369 : vector<512x128xf32>
    %mul3A_371 = arith.mulf %get3A_360, %get3A_360 : vector<512x128xf32>
    %get3A_372 = arith.constant 14 : index
    %get3A_373 = arith.constant 0 : index
    %get3A_374 = arith.constant 0 : index
    %get3A_375 = vector.load %arg5[%get3A_372, %get3A_373, %get3A_374] : memref<20x128x128xf32, #tpu.memory_space<vmem>>, vector<1x128x128xf32>
    %get3A_376 = vector.shape_cast %get3A_375 : vector<1x128x128xf32> to vector<128x128xf32>
    %dot_general3A_377 = arith.constant dense<0.000000e+00> : vector<512x128xf32>
    %dot_general3A_378 = tpu.matmul %mul3A_371, %get3A_376, %dot_general3A_377 {dimension_numbers = #tpu.dot_dimension_numbers<[1], [0], [0], [1], [0, 0, 1, 1], [], []>, transpose_lhs_hint = false} : vector<512x128xf32>, vector<128x128xf32>, vector<512x128xf32> -> vector<512x128xf32>
    %add3A_379 = arith.addf %add3A_355, %dot_general3A_378 : vector<512x128xf32>
    %get3A_380 = arith.constant 17 : index
    %get3A_381 = arith.constant 0 : index
    %get3A_382 = arith.constant 0 : index
    %get3A_383 = vector.load %arg1[%get3A_380, %get3A_381, %get3A_382] : memref<27x512x128xf32, #tpu.memory_space<vmem>>, vector<1x512x128xf32>
    %get3A_384 = vector.shape_cast %get3A_383 : vector<1x512x128xf32> to vector<512x128xf32>
    %sub3A_385 = arith.subf %get3A_3, %get3A_384 : vector<512x128xf32>
    %mul3A_386 = arith.mulf %sub3A_385, %sub3A_385 : vector<512x128xf32>
    %get3A_387 = arith.constant 15 : index
    %get3A_388 = arith.constant 0 : index
    %get3A_389 = arith.constant 0 : index
    %get3A_390 = vector.load %arg5[%get3A_387, %get3A_388, %get3A_389] : memref<20x128x128xf32, #tpu.memory_space<vmem>>, vector<1x128x128xf32>
    %get3A_391 = vector.shape_cast %get3A_390 : vector<1x128x128xf32> to vector<128x128xf32>
    %dot_general3A_392 = arith.constant dense<0.000000e+00> : vector<512x128xf32>
    %dot_general3A_393 = tpu.matmul %mul3A_386, %get3A_391, %dot_general3A_392 {dimension_numbers = #tpu.dot_dimension_numbers<[1], [0], [0], [1], [0, 0, 1, 1], [], []>, transpose_lhs_hint = false} : vector<512x128xf32>, vector<128x128xf32>, vector<512x128xf32> -> vector<512x128xf32>
    %add3A_394 = arith.addf %add3A_370, %dot_general3A_393 : vector<512x128xf32>
    %mul3A_395 = arith.mulf %get3A_384, %get3A_384 : vector<512x128xf32>
    %get3A_396 = arith.constant 15 : index
    %get3A_397 = arith.constant 0 : index
    %get3A_398 = arith.constant 0 : index
    %get3A_399 = vector.load %arg5[%get3A_396, %get3A_397, %get3A_398] : memref<20x128x128xf32, #tpu.memory_space<vmem>>, vector<1x128x128xf32>
    %get3A_400 = vector.shape_cast %get3A_399 : vector<1x128x128xf32> to vector<128x128xf32>
    %dot_general3A_401 = arith.constant dense<0.000000e+00> : vector<512x128xf32>
    %dot_general3A_402 = tpu.matmul %mul3A_395, %get3A_400, %dot_general3A_401 {dimension_numbers = #tpu.dot_dimension_numbers<[1], [0], [0], [1], [0, 0, 1, 1], [], []>, transpose_lhs_hint = false} : vector<512x128xf32>, vector<128x128xf32>, vector<512x128xf32> -> vector<512x128xf32>
    %add3A_403 = arith.addf %add3A_379, %dot_general3A_402 : vector<512x128xf32>
    %get3A_404 = arith.constant 18 : index
    %get3A_405 = arith.constant 0 : index
    %get3A_406 = arith.constant 0 : index
    %get3A_407 = vector.load %arg1[%get3A_404, %get3A_405, %get3A_406] : memref<27x512x128xf32, #tpu.memory_space<vmem>>, vector<1x512x128xf32>
    %get3A_408 = vector.shape_cast %get3A_407 : vector<1x512x128xf32> to vector<512x128xf32>
    %sub3A_409 = arith.subf %get3A_3, %get3A_408 : vector<512x128xf32>
    %mul3A_410 = arith.mulf %sub3A_409, %sub3A_409 : vector<512x128xf32>
    %get3A_411 = arith.constant 16 : index
    %get3A_412 = arith.constant 0 : index
    %get3A_413 = arith.constant 0 : index
    %get3A_414 = vector.load %arg5[%get3A_411, %get3A_412, %get3A_413] : memref<20x128x128xf32, #tpu.memory_space<vmem>>, vector<1x128x128xf32>
    %get3A_415 = vector.shape_cast %get3A_414 : vector<1x128x128xf32> to vector<128x128xf32>
    %dot_general3A_416 = arith.constant dense<0.000000e+00> : vector<512x128xf32>
    %dot_general3A_417 = tpu.matmul %mul3A_410, %get3A_415, %dot_general3A_416 {dimension_numbers = #tpu.dot_dimension_numbers<[1], [0], [0], [1], [0, 0, 1, 1], [], []>, transpose_lhs_hint = false} : vector<512x128xf32>, vector<128x128xf32>, vector<512x128xf32> -> vector<512x128xf32>
    %add3A_418 = arith.addf %add3A_394, %dot_general3A_417 : vector<512x128xf32>
    %mul3A_419 = arith.mulf %get3A_408, %get3A_408 : vector<512x128xf32>
    %get3A_420 = arith.constant 16 : index
    %get3A_421 = arith.constant 0 : index
    %get3A_422 = arith.constant 0 : index
    %get3A_423 = vector.load %arg5[%get3A_420, %get3A_421, %get3A_422] : memref<20x128x128xf32, #tpu.memory_space<vmem>>, vector<1x128x128xf32>
    %get3A_424 = vector.shape_cast %get3A_423 : vector<1x128x128xf32> to vector<128x128xf32>
    %dot_general3A_425 = arith.constant dense<0.000000e+00> : vector<512x128xf32>
    %dot_general3A_426 = tpu.matmul %mul3A_419, %get3A_424, %dot_general3A_425 {dimension_numbers = #tpu.dot_dimension_numbers<[1], [0], [0], [1], [0, 0, 1, 1], [], []>, transpose_lhs_hint = false} : vector<512x128xf32>, vector<128x128xf32>, vector<512x128xf32> -> vector<512x128xf32>
    %add3A_427 = arith.addf %add3A_403, %dot_general3A_426 : vector<512x128xf32>
    %get3A_428 = arith.constant 19 : index
    %get3A_429 = arith.constant 0 : index
    %get3A_430 = arith.constant 0 : index
    %get3A_431 = vector.load %arg1[%get3A_428, %get3A_429, %get3A_430] : memref<27x512x128xf32, #tpu.memory_space<vmem>>, vector<1x512x128xf32>
    %get3A_432 = vector.shape_cast %get3A_431 : vector<1x512x128xf32> to vector<512x128xf32>
    %sub3A_433 = arith.subf %get3A_3, %get3A_432 : vector<512x128xf32>
    %mul3A_434 = arith.mulf %sub3A_433, %sub3A_433 : vector<512x128xf32>
    %get3A_435 = arith.constant 17 : index
    %get3A_436 = arith.constant 0 : index
    %get3A_437 = arith.constant 0 : index
    %get3A_438 = vector.load %arg5[%get3A_435, %get3A_436, %get3A_437] : memref<20x128x128xf32, #tpu.memory_space<vmem>>, vector<1x128x128xf32>
    %get3A_439 = vector.shape_cast %get3A_438 : vector<1x128x128xf32> to vector<128x128xf32>
    %dot_general3A_440 = arith.constant dense<0.000000e+00> : vector<512x128xf32>
    %dot_general3A_441 = tpu.matmul %mul3A_434, %get3A_439, %dot_general3A_440 {dimension_numbers = #tpu.dot_dimension_numbers<[1], [0], [0], [1], [0, 0, 1, 1], [], []>, transpose_lhs_hint = false} : vector<512x128xf32>, vector<128x128xf32>, vector<512x128xf32> -> vector<512x128xf32>
    %add3A_442 = arith.addf %add3A_418, %dot_general3A_441 : vector<512x128xf32>
    %mul3A_443 = arith.mulf %get3A_432, %get3A_432 : vector<512x128xf32>
    %get3A_444 = arith.constant 17 : index
    %get3A_445 = arith.constant 0 : index
    %get3A_446 = arith.constant 0 : index
    %get3A_447 = vector.load %arg5[%get3A_444, %get3A_445, %get3A_446] : memref<20x128x128xf32, #tpu.memory_space<vmem>>, vector<1x128x128xf32>
    %get3A_448 = vector.shape_cast %get3A_447 : vector<1x128x128xf32> to vector<128x128xf32>
    %dot_general3A_449 = arith.constant dense<0.000000e+00> : vector<512x128xf32>
    %dot_general3A_450 = tpu.matmul %mul3A_443, %get3A_448, %dot_general3A_449 {dimension_numbers = #tpu.dot_dimension_numbers<[1], [0], [0], [1], [0, 0, 1, 1], [], []>, transpose_lhs_hint = false} : vector<512x128xf32>, vector<128x128xf32>, vector<512x128xf32> -> vector<512x128xf32>
    %add3A_451 = arith.addf %add3A_427, %dot_general3A_450 : vector<512x128xf32>
    %get3A_452 = arith.constant 20 : index
    %get3A_453 = arith.constant 0 : index
    %get3A_454 = arith.constant 0 : index
    %get3A_455 = vector.load %arg1[%get3A_452, %get3A_453, %get3A_454] : memref<27x512x128xf32, #tpu.memory_space<vmem>>, vector<1x512x128xf32>
    %get3A_456 = vector.shape_cast %get3A_455 : vector<1x512x128xf32> to vector<512x128xf32>
    %sub3A_457 = arith.subf %get3A_3, %get3A_456 : vector<512x128xf32>
    %mul3A_458 = arith.mulf %sub3A_457, %sub3A_457 : vector<512x128xf32>
    %get3A_459 = arith.constant 18 : index
    %get3A_460 = arith.constant 0 : index
    %get3A_461 = arith.constant 0 : index
    %get3A_462 = vector.load %arg5[%get3A_459, %get3A_460, %get3A_461] : memref<20x128x128xf32, #tpu.memory_space<vmem>>, vector<1x128x128xf32>
    %get3A_463 = vector.shape_cast %get3A_462 : vector<1x128x128xf32> to vector<128x128xf32>
    %dot_general3A_464 = arith.constant dense<0.000000e+00> : vector<512x128xf32>
    %dot_general3A_465 = tpu.matmul %mul3A_458, %get3A_463, %dot_general3A_464 {dimension_numbers = #tpu.dot_dimension_numbers<[1], [0], [0], [1], [0, 0, 1, 1], [], []>, transpose_lhs_hint = false} : vector<512x128xf32>, vector<128x128xf32>, vector<512x128xf32> -> vector<512x128xf32>
    %add3A_466 = arith.addf %add3A_442, %dot_general3A_465 : vector<512x128xf32>
    %mul3A_467 = arith.mulf %get3A_456, %get3A_456 : vector<512x128xf32>
    %get3A_468 = arith.constant 18 : index
    %get3A_469 = arith.constant 0 : index
    %get3A_470 = arith.constant 0 : index
    %get3A_471 = vector.load %arg5[%get3A_468, %get3A_469, %get3A_470] : memref<20x128x128xf32, #tpu.memory_space<vmem>>, vector<1x128x128xf32>
    %get3A_472 = vector.shape_cast %get3A_471 : vector<1x128x128xf32> to vector<128x128xf32>
    %dot_general3A_473 = arith.constant dense<0.000000e+00> : vector<512x128xf32>
    %dot_general3A_474 = tpu.matmul %mul3A_467, %get3A_472, %dot_general3A_473 {dimension_numbers = #tpu.dot_dimension_numbers<[1], [0], [0], [1], [0, 0, 1, 1], [], []>, transpose_lhs_hint = false} : vector<512x128xf32>, vector<128x128xf32>, vector<512x128xf32> -> vector<512x128xf32>
    %add3A_475 = arith.addf %add3A_451, %dot_general3A_474 : vector<512x128xf32>
    %get3A_476 = arith.constant 21 : index
    %get3A_477 = arith.constant 0 : index
    %get3A_478 = arith.constant 0 : index
    %get3A_479 = vector.load %arg1[%get3A_476, %get3A_477, %get3A_478] : memref<27x512x128xf32, #tpu.memory_space<vmem>>, vector<1x512x128xf32>
    %get3A_480 = vector.shape_cast %get3A_479 : vector<1x512x128xf32> to vector<512x128xf32>
    %sub3A_481 = arith.subf %get3A_3, %get3A_480 : vector<512x128xf32>
    %mul3A_482 = arith.mulf %sub3A_481, %sub3A_481 : vector<512x128xf32>
    %get3A_483 = arith.constant 19 : index
    %get3A_484 = arith.constant 0 : index
    %get3A_485 = arith.constant 0 : index
    %get3A_486 = vector.load %arg5[%get3A_483, %get3A_484, %get3A_485] : memref<20x128x128xf32, #tpu.memory_space<vmem>>, vector<1x128x128xf32>
    %get3A_487 = vector.shape_cast %get3A_486 : vector<1x128x128xf32> to vector<128x128xf32>
    %dot_general3A_488 = arith.constant dense<0.000000e+00> : vector<512x128xf32>
    %dot_general3A_489 = tpu.matmul %mul3A_482, %get3A_487, %dot_general3A_488 {dimension_numbers = #tpu.dot_dimension_numbers<[1], [0], [0], [1], [0, 0, 1, 1], [], []>, transpose_lhs_hint = false} : vector<512x128xf32>, vector<128x128xf32>, vector<512x128xf32> -> vector<512x128xf32>
    %add3A_490 = arith.addf %add3A_466, %dot_general3A_489 : vector<512x128xf32>
    %mul3A_491 = arith.mulf %get3A_480, %get3A_480 : vector<512x128xf32>
    %get3A_492 = arith.constant 19 : index
    %get3A_493 = arith.constant 0 : index
    %get3A_494 = arith.constant 0 : index
    %get3A_495 = vector.load %arg5[%get3A_492, %get3A_493, %get3A_494] : memref<20x128x128xf32, #tpu.memory_space<vmem>>, vector<1x128x128xf32>
    %get3A_496 = vector.shape_cast %get3A_495 : vector<1x128x128xf32> to vector<128x128xf32>
    %dot_general3A_497 = arith.constant dense<0.000000e+00> : vector<512x128xf32>
    %dot_general3A_498 = tpu.matmul %mul3A_491, %get3A_496, %dot_general3A_497 {dimension_numbers = #tpu.dot_dimension_numbers<[1], [0], [0], [1], [0, 0, 1, 1], [], []>, transpose_lhs_hint = false} : vector<512x128xf32>, vector<128x128xf32>, vector<512x128xf32> -> vector<512x128xf32>
    %add3A_499 = arith.addf %add3A_475, %dot_general3A_498 : vector<512x128xf32>
    %neg3A_500 = arith.constant 0.000000e+00 : f32
    %neg3A_501 = vector.broadcast %neg3A_500 : f32 to vector<512x128xf32>
    %neg3A_502 = arith.subf %neg3A_501, %add3A_490 : vector<512x128xf32>
    %iota3A = tpu.iota {dimensions = array<i32: 1>} : vector<512x128xi32>
    %lt3A = arith.constant 20 : i32
    %lt3A_503 = vector.broadcast %lt3A : i32 to vector<512x128xi32>
    %lt3A_504 = arith.cmpi slt, %iota3A, %lt3A_503 : vector<512x128xi32>
    %ge3A = arith.constant 64 : i32
    %ge3A_505 = vector.broadcast %ge3A : i32 to vector<512x128xi32>
    %ge3A_506 = arith.cmpi sge, %iota3A, %ge3A_505 : vector<512x128xi32>
    %lt3A_507 = arith.constant 84 : i32
    %lt3A_508 = vector.broadcast %lt3A_507 : i32 to vector<512x128xi32>
    %lt3A_509 = arith.cmpi slt, %iota3A, %lt3A_508 : vector<512x128xi32>
    %and3A = arith.andi %ge3A_506, %lt3A_509 : vector<512x128xi1>
    %or3A = arith.ori %lt3A_504, %and3A : vector<512x128xi1>
    %exp3A = math.exp %neg3A_502 : vector<512x128xf32>
    %jit3A = arith.constant 0.000000e+00 : f32
    %broadcast_in_dim3A_510 = vector.broadcast %jit3A : f32 to vector<512x128xf32>
    %select_n3A = arith.select %or3A, %exp3A, %broadcast_in_dim3A_510 : vector<512x128xi1>, vector<512x128xf32>
    %dot_general3A_511 = arith.constant dense<0.000000e+00> : vector<512x128xf32>
    %dot_general3A_512 = tpu.matmul %select_n3A, %get3A_14, %dot_general3A_511 {dimension_numbers = #tpu.dot_dimension_numbers<[1], [0], [0], [1], [0, 0, 1, 1], [], []>, transpose_lhs_hint = false} : vector<512x128xf32>, vector<128x128xf32>, vector<512x128xf32> -> vector<512x128xf32>
    %max3A = arith.constant 1.000000e-35 : f32
    %max3A_513 = vector.broadcast %max3A : f32 to vector<512x128xf32>
    %max3A_514 = arith.maximumf %dot_general3A_512, %max3A_513 : vector<512x128xf32>
    %get3A_515 = arith.constant 0 : index
    %get3A_516 = arith.constant 0 : index
    %get3A_517 = vector.load %arg4[%get3A_515, %get3A_516] : memref<512x128xf32, #tpu.memory_space<vmem>>, vector<512x128xf32>
    %get3A_518 = arith.constant 0 : index
    %get3A_519 = arith.constant 0 : index
    %get3A_520 = vector.load %arg2[%get3A_518, %get3A_519] : memref<512x128xf32, #tpu.memory_space<vmem>>, vector<512x128xf32>
    %sub3A_521 = arith.subf %get3A_517, %get3A_520 : vector<512x128xf32>
    %abs3A = math.absf %sub3A_521 : vector<512x128xf32>
    %exp3A_522 = math.exp %abs3A : vector<512x128xf32>
    %get3A_523 = arith.constant 0 : index
    %get3A_524 = arith.constant 0 : index
    %get3A_525 = vector.load %arg3[%get3A_523, %get3A_524] : memref<512x128xf32, #tpu.memory_space<vmem>>, vector<512x128xf32>
    %mul3A_526 = arith.mulf %exp3A_522, %get3A_525 : vector<512x128xf32>
    %mul3A_527 = arith.mulf %select_n3A, %mul3A_526 : vector<512x128xf32>
    %div3A = arith.divf %mul3A_527, %max3A_514 : vector<512x128xf32>
    %mul3A_528 = arith.mulf %div3A, %neg3A_502 : vector<512x128xf32>
    %dot_general3A_529 = arith.constant dense<0.000000e+00> : vector<512x128xf32>
    %dot_general3A_530 = tpu.matmul %mul3A_528, %get3A_14, %dot_general3A_529 {dimension_numbers = #tpu.dot_dimension_numbers<[1], [0], [0], [1], [0, 0, 1, 1], [], []>, transpose_lhs_hint = false} : vector<512x128xf32>, vector<128x128xf32>, vector<512x128xf32> -> vector<512x128xf32>
    %dot_general3A_531 = arith.constant dense<0.000000e+00> : vector<512x128xf32>
    %dot_general3A_532 = tpu.matmul %div3A, %get3A_14, %dot_general3A_531 {dimension_numbers = #tpu.dot_dimension_numbers<[1], [0], [0], [1], [0, 0, 1, 1], [], []>, transpose_lhs_hint = false} : vector<512x128xf32>, vector<128x128xf32>, vector<512x128xf32> -> vector<512x128xf32>
    %mul3A_533 = arith.mulf %div3A, %add3A_499 : vector<512x128xf32>
    %dot_general3A_534 = arith.constant dense<0.000000e+00> : vector<512x128xf32>
    %dot_general3A_535 = tpu.matmul %mul3A_533, %get3A_14, %dot_general3A_534 {dimension_numbers = #tpu.dot_dimension_numbers<[1], [0], [0], [1], [0, 0, 1, 1], [], []>, transpose_lhs_hint = false} : vector<512x128xf32>, vector<128x128xf32>, vector<512x128xf32> -> vector<512x128xf32>
    %broadcast_in_dim3A_536 = arith.constant 0.000000e+00 : f32
    %broadcast_in_dim3A_537 = vector.broadcast %broadcast_in_dim3A_536 : f32 to vector<512x128xf32>
    %get3A_538 = arith.constant 0 : index
    %get3A_539 = arith.constant 0 : index
    %get3A_540 = arith.constant 0 : index
    %get3A_541 = vector.load %arg6[%get3A_538, %get3A_539, %get3A_540] : memref<20x128x128xf32, #tpu.memory_space<vmem>>, vector<1x128x128xf32>
    %get3A_542 = vector.shape_cast %get3A_541 : vector<1x128x128xf32> to vector<128x128xf32>
    %dot_general3A_543 = arith.constant dense<0.000000e+00> : vector<512x128xf32>
    %dot_general3A_544 = tpu.matmul %div3A, %get3A_542, %dot_general3A_543 {dimension_numbers = #tpu.dot_dimension_numbers<[1], [0], [0], [1], [0, 0, 1, 1], [], []>, transpose_lhs_hint = false} : vector<512x128xf32>, vector<128x128xf32>, vector<512x128xf32> -> vector<512x128xf32>
    %get3A_545 = arith.constant 2 : index
    %get3A_546 = arith.constant 0 : index
    %get3A_547 = arith.constant 0 : index
    %get3A_548 = vector.load %arg1[%get3A_545, %get3A_546, %get3A_547] : memref<27x512x128xf32, #tpu.memory_space<vmem>>, vector<1x512x128xf32>
    %get3A_549 = vector.shape_cast %get3A_548 : vector<1x512x128xf32> to vector<512x128xf32>
    %mul3A_550 = arith.mulf %dot_general3A_544, %get3A_549 : vector<512x128xf32>
    %add3A_551 = arith.addf %broadcast_in_dim3A_537, %mul3A_550 : vector<512x128xf32>
    %get3A_552 = arith.constant 1 : index
    %get3A_553 = arith.constant 0 : index
    %get3A_554 = arith.constant 0 : index
    %get3A_555 = vector.load %arg6[%get3A_552, %get3A_553, %get3A_554] : memref<20x128x128xf32, #tpu.memory_space<vmem>>, vector<1x128x128xf32>
    %get3A_556 = vector.shape_cast %get3A_555 : vector<1x128x128xf32> to vector<128x128xf32>
    %dot_general3A_557 = arith.constant dense<0.000000e+00> : vector<512x128xf32>
    %dot_general3A_558 = tpu.matmul %div3A, %get3A_556, %dot_general3A_557 {dimension_numbers = #tpu.dot_dimension_numbers<[1], [0], [0], [1], [0, 0, 1, 1], [], []>, transpose_lhs_hint = false} : vector<512x128xf32>, vector<128x128xf32>, vector<512x128xf32> -> vector<512x128xf32>
    %get3A_559 = arith.constant 3 : index
    %get3A_560 = arith.constant 0 : index
    %get3A_561 = arith.constant 0 : index
    %get3A_562 = vector.load %arg1[%get3A_559, %get3A_560, %get3A_561] : memref<27x512x128xf32, #tpu.memory_space<vmem>>, vector<1x512x128xf32>
    %get3A_563 = vector.shape_cast %get3A_562 : vector<1x512x128xf32> to vector<512x128xf32>
    %mul3A_564 = arith.mulf %dot_general3A_558, %get3A_563 : vector<512x128xf32>
    %add3A_565 = arith.addf %add3A_551, %mul3A_564 : vector<512x128xf32>
    %get3A_566 = arith.constant 2 : index
    %get3A_567 = arith.constant 0 : index
    %get3A_568 = arith.constant 0 : index
    %get3A_569 = vector.load %arg6[%get3A_566, %get3A_567, %get3A_568] : memref<20x128x128xf32, #tpu.memory_space<vmem>>, vector<1x128x128xf32>
    %get3A_570 = vector.shape_cast %get3A_569 : vector<1x128x128xf32> to vector<128x128xf32>
    %dot_general3A_571 = arith.constant dense<0.000000e+00> : vector<512x128xf32>
    %dot_general3A_572 = tpu.matmul %div3A, %get3A_570, %dot_general3A_571 {dimension_numbers = #tpu.dot_dimension_numbers<[1], [0], [0], [1], [0, 0, 1, 1], [], []>, transpose_lhs_hint = false} : vector<512x128xf32>, vector<128x128xf32>, vector<512x128xf32> -> vector<512x128xf32>
    %get3A_573 = arith.constant 4 : index
    %get3A_574 = arith.constant 0 : index
    %get3A_575 = arith.constant 0 : index
    %get3A_576 = vector.load %arg1[%get3A_573, %get3A_574, %get3A_575] : memref<27x512x128xf32, #tpu.memory_space<vmem>>, vector<1x512x128xf32>
    %get3A_577 = vector.shape_cast %get3A_576 : vector<1x512x128xf32> to vector<512x128xf32>
    %mul3A_578 = arith.mulf %dot_general3A_572, %get3A_577 : vector<512x128xf32>
    %add3A_579 = arith.addf %add3A_565, %mul3A_578 : vector<512x128xf32>
    %get3A_580 = arith.constant 3 : index
    %get3A_581 = arith.constant 0 : index
    %get3A_582 = arith.constant 0 : index
    %get3A_583 = vector.load %arg6[%get3A_580, %get3A_581, %get3A_582] : memref<20x128x128xf32, #tpu.memory_space<vmem>>, vector<1x128x128xf32>
    %get3A_584 = vector.shape_cast %get3A_583 : vector<1x128x128xf32> to vector<128x128xf32>
    %dot_general3A_585 = arith.constant dense<0.000000e+00> : vector<512x128xf32>
    %dot_general3A_586 = tpu.matmul %div3A, %get3A_584, %dot_general3A_585 {dimension_numbers = #tpu.dot_dimension_numbers<[1], [0], [0], [1], [0, 0, 1, 1], [], []>, transpose_lhs_hint = false} : vector<512x128xf32>, vector<128x128xf32>, vector<512x128xf32> -> vector<512x128xf32>
    %get3A_587 = arith.constant 5 : index
    %get3A_588 = arith.constant 0 : index
    %get3A_589 = arith.constant 0 : index
    %get3A_590 = vector.load %arg1[%get3A_587, %get3A_588, %get3A_589] : memref<27x512x128xf32, #tpu.memory_space<vmem>>, vector<1x512x128xf32>
    %get3A_591 = vector.shape_cast %get3A_590 : vector<1x512x128xf32> to vector<512x128xf32>
    %mul3A_592 = arith.mulf %dot_general3A_586, %get3A_591 : vector<512x128xf32>
    %add3A_593 = arith.addf %add3A_579, %mul3A_592 : vector<512x128xf32>
    %get3A_594 = arith.constant 4 : index
    %get3A_595 = arith.constant 0 : index
    %get3A_596 = arith.constant 0 : index
    %get3A_597 = vector.load %arg6[%get3A_594, %get3A_595, %get3A_596] : memref<20x128x128xf32, #tpu.memory_space<vmem>>, vector<1x128x128xf32>
    %get3A_598 = vector.shape_cast %get3A_597 : vector<1x128x128xf32> to vector<128x128xf32>
    %dot_general3A_599 = arith.constant dense<0.000000e+00> : vector<512x128xf32>
    %dot_general3A_600 = tpu.matmul %div3A, %get3A_598, %dot_general3A_599 {dimension_numbers = #tpu.dot_dimension_numbers<[1], [0], [0], [1], [0, 0, 1, 1], [], []>, transpose_lhs_hint = false} : vector<512x128xf32>, vector<128x128xf32>, vector<512x128xf32> -> vector<512x128xf32>
    %get3A_601 = arith.constant 6 : index
    %get3A_602 = arith.constant 0 : index
    %get3A_603 = arith.constant 0 : index
    %get3A_604 = vector.load %arg1[%get3A_601, %get3A_602, %get3A_603] : memref<27x512x128xf32, #tpu.memory_space<vmem>>, vector<1x512x128xf32>
    %get3A_605 = vector.shape_cast %get3A_604 : vector<1x512x128xf32> to vector<512x128xf32>
    %mul3A_606 = arith.mulf %dot_general3A_600, %get3A_605 : vector<512x128xf32>
    %add3A_607 = arith.addf %add3A_593, %mul3A_606 : vector<512x128xf32>
    %get3A_608 = arith.constant 5 : index
    %get3A_609 = arith.constant 0 : index
    %get3A_610 = arith.constant 0 : index
    %get3A_611 = vector.load %arg6[%get3A_608, %get3A_609, %get3A_610] : memref<20x128x128xf32, #tpu.memory_space<vmem>>, vector<1x128x128xf32>
    %get3A_612 = vector.shape_cast %get3A_611 : vector<1x128x128xf32> to vector<128x128xf32>
    %dot_general3A_613 = arith.constant dense<0.000000e+00> : vector<512x128xf32>
    %dot_general3A_614 = tpu.matmul %div3A, %get3A_612, %dot_general3A_613 {dimension_numbers = #tpu.dot_dimension_numbers<[1], [0], [0], [1], [0, 0, 1, 1], [], []>, transpose_lhs_hint = false} : vector<512x128xf32>, vector<128x128xf32>, vector<512x128xf32> -> vector<512x128xf32>
    %get3A_615 = arith.constant 7 : index
    %get3A_616 = arith.constant 0 : index
    %get3A_617 = arith.constant 0 : index
    %get3A_618 = vector.load %arg1[%get3A_615, %get3A_616, %get3A_617] : memref<27x512x128xf32, #tpu.memory_space<vmem>>, vector<1x512x128xf32>
    %get3A_619 = vector.shape_cast %get3A_618 : vector<1x512x128xf32> to vector<512x128xf32>
    %mul3A_620 = arith.mulf %dot_general3A_614, %get3A_619 : vector<512x128xf32>
    %add3A_621 = arith.addf %add3A_607, %mul3A_620 : vector<512x128xf32>
    %get3A_622 = arith.constant 6 : index
    %get3A_623 = arith.constant 0 : index
    %get3A_624 = arith.constant 0 : index
    %get3A_625 = vector.load %arg6[%get3A_622, %get3A_623, %get3A_624] : memref<20x128x128xf32, #tpu.memory_space<vmem>>, vector<1x128x128xf32>
    %get3A_626 = vector.shape_cast %get3A_625 : vector<1x128x128xf32> to vector<128x128xf32>
    %dot_general3A_627 = arith.constant dense<0.000000e+00> : vector<512x128xf32>
    %dot_general3A_628 = tpu.matmul %div3A, %get3A_626, %dot_general3A_627 {dimension_numbers = #tpu.dot_dimension_numbers<[1], [0], [0], [1], [0, 0, 1, 1], [], []>, transpose_lhs_hint = false} : vector<512x128xf32>, vector<128x128xf32>, vector<512x128xf32> -> vector<512x128xf32>
    %get3A_629 = arith.constant 8 : index
    %get3A_630 = arith.constant 0 : index
    %get3A_631 = arith.constant 0 : index
    %get3A_632 = vector.load %arg1[%get3A_629, %get3A_630, %get3A_631] : memref<27x512x128xf32, #tpu.memory_space<vmem>>, vector<1x512x128xf32>
    %get3A_633 = vector.shape_cast %get3A_632 : vector<1x512x128xf32> to vector<512x128xf32>
    %mul3A_634 = arith.mulf %dot_general3A_628, %get3A_633 : vector<512x128xf32>
    %add3A_635 = arith.addf %add3A_621, %mul3A_634 : vector<512x128xf32>
    %get3A_636 = arith.constant 7 : index
    %get3A_637 = arith.constant 0 : index
    %get3A_638 = arith.constant 0 : index
    %get3A_639 = vector.load %arg6[%get3A_636, %get3A_637, %get3A_638] : memref<20x128x128xf32, #tpu.memory_space<vmem>>, vector<1x128x128xf32>
    %get3A_640 = vector.shape_cast %get3A_639 : vector<1x128x128xf32> to vector<128x128xf32>
    %dot_general3A_641 = arith.constant dense<0.000000e+00> : vector<512x128xf32>
    %dot_general3A_642 = tpu.matmul %div3A, %get3A_640, %dot_general3A_641 {dimension_numbers = #tpu.dot_dimension_numbers<[1], [0], [0], [1], [0, 0, 1, 1], [], []>, transpose_lhs_hint = false} : vector<512x128xf32>, vector<128x128xf32>, vector<512x128xf32> -> vector<512x128xf32>
    %get3A_643 = arith.constant 9 : index
    %get3A_644 = arith.constant 0 : index
    %get3A_645 = arith.constant 0 : index
    %get3A_646 = vector.load %arg1[%get3A_643, %get3A_644, %get3A_645] : memref<27x512x128xf32, #tpu.memory_space<vmem>>, vector<1x512x128xf32>
    %get3A_647 = vector.shape_cast %get3A_646 : vector<1x512x128xf32> to vector<512x128xf32>
    %mul3A_648 = arith.mulf %dot_general3A_642, %get3A_647 : vector<512x128xf32>
    %add3A_649 = arith.addf %add3A_635, %mul3A_648 : vector<512x128xf32>
    %get3A_650 = arith.constant 8 : index
    %get3A_651 = arith.constant 0 : index
    %get3A_652 = arith.constant 0 : index
    %get3A_653 = vector.load %arg6[%get3A_650, %get3A_651, %get3A_652] : memref<20x128x128xf32, #tpu.memory_space<vmem>>, vector<1x128x128xf32>
    %get3A_654 = vector.shape_cast %get3A_653 : vector<1x128x128xf32> to vector<128x128xf32>
    %dot_general3A_655 = arith.constant dense<0.000000e+00> : vector<512x128xf32>
    %dot_general3A_656 = tpu.matmul %div3A, %get3A_654, %dot_general3A_655 {dimension_numbers = #tpu.dot_dimension_numbers<[1], [0], [0], [1], [0, 0, 1, 1], [], []>, transpose_lhs_hint = false} : vector<512x128xf32>, vector<128x128xf32>, vector<512x128xf32> -> vector<512x128xf32>
    %get3A_657 = arith.constant 10 : index
    %get3A_658 = arith.constant 0 : index
    %get3A_659 = arith.constant 0 : index
    %get3A_660 = vector.load %arg1[%get3A_657, %get3A_658, %get3A_659] : memref<27x512x128xf32, #tpu.memory_space<vmem>>, vector<1x512x128xf32>
    %get3A_661 = vector.shape_cast %get3A_660 : vector<1x512x128xf32> to vector<512x128xf32>
    %mul3A_662 = arith.mulf %dot_general3A_656, %get3A_661 : vector<512x128xf32>
    %add3A_663 = arith.addf %add3A_649, %mul3A_662 : vector<512x128xf32>
    %get3A_664 = arith.constant 9 : index
    %get3A_665 = arith.constant 0 : index
    %get3A_666 = arith.constant 0 : index
    %get3A_667 = vector.load %arg6[%get3A_664, %get3A_665, %get3A_666] : memref<20x128x128xf32, #tpu.memory_space<vmem>>, vector<1x128x128xf32>
    %get3A_668 = vector.shape_cast %get3A_667 : vector<1x128x128xf32> to vector<128x128xf32>
    %dot_general3A_669 = arith.constant dense<0.000000e+00> : vector<512x128xf32>
    %dot_general3A_670 = tpu.matmul %div3A, %get3A_668, %dot_general3A_669 {dimension_numbers = #tpu.dot_dimension_numbers<[1], [0], [0], [1], [0, 0, 1, 1], [], []>, transpose_lhs_hint = false} : vector<512x128xf32>, vector<128x128xf32>, vector<512x128xf32> -> vector<512x128xf32>
    %get3A_671 = arith.constant 11 : index
    %get3A_672 = arith.constant 0 : index
    %get3A_673 = arith.constant 0 : index
    %get3A_674 = vector.load %arg1[%get3A_671, %get3A_672, %get3A_673] : memref<27x512x128xf32, #tpu.memory_space<vmem>>, vector<1x512x128xf32>
    %get3A_675 = vector.shape_cast %get3A_674 : vector<1x512x128xf32> to vector<512x128xf32>
    %mul3A_676 = arith.mulf %dot_general3A_670, %get3A_675 : vector<512x128xf32>
    %add3A_677 = arith.addf %add3A_663, %mul3A_676 : vector<512x128xf32>
    %get3A_678 = arith.constant 10 : index
    %get3A_679 = arith.constant 0 : index
    %get3A_680 = arith.constant 0 : index
    %get3A_681 = vector.load %arg6[%get3A_678, %get3A_679, %get3A_680] : memref<20x128x128xf32, #tpu.memory_space<vmem>>, vector<1x128x128xf32>
    %get3A_682 = vector.shape_cast %get3A_681 : vector<1x128x128xf32> to vector<128x128xf32>
    %dot_general3A_683 = arith.constant dense<0.000000e+00> : vector<512x128xf32>
    %dot_general3A_684 = tpu.matmul %div3A, %get3A_682, %dot_general3A_683 {dimension_numbers = #tpu.dot_dimension_numbers<[1], [0], [0], [1], [0, 0, 1, 1], [], []>, transpose_lhs_hint = false} : vector<512x128xf32>, vector<128x128xf32>, vector<512x128xf32> -> vector<512x128xf32>
    %get3A_685 = arith.constant 12 : index
    %get3A_686 = arith.constant 0 : index
    %get3A_687 = arith.constant 0 : index
    %get3A_688 = vector.load %arg1[%get3A_685, %get3A_686, %get3A_687] : memref<27x512x128xf32, #tpu.memory_space<vmem>>, vector<1x512x128xf32>
    %get3A_689 = vector.shape_cast %get3A_688 : vector<1x512x128xf32> to vector<512x128xf32>
    %mul3A_690 = arith.mulf %dot_general3A_684, %get3A_689 : vector<512x128xf32>
    %add3A_691 = arith.addf %add3A_677, %mul3A_690 : vector<512x128xf32>
    %get3A_692 = arith.constant 11 : index
    %get3A_693 = arith.constant 0 : index
    %get3A_694 = arith.constant 0 : index
    %get3A_695 = vector.load %arg6[%get3A_692, %get3A_693, %get3A_694] : memref<20x128x128xf32, #tpu.memory_space<vmem>>, vector<1x128x128xf32>
    %get3A_696 = vector.shape_cast %get3A_695 : vector<1x128x128xf32> to vector<128x128xf32>
    %dot_general3A_697 = arith.constant dense<0.000000e+00> : vector<512x128xf32>
    %dot_general3A_698 = tpu.matmul %div3A, %get3A_696, %dot_general3A_697 {dimension_numbers = #tpu.dot_dimension_numbers<[1], [0], [0], [1], [0, 0, 1, 1], [], []>, transpose_lhs_hint = false} : vector<512x128xf32>, vector<128x128xf32>, vector<512x128xf32> -> vector<512x128xf32>
    %get3A_699 = arith.constant 13 : index
    %get3A_700 = arith.constant 0 : index
    %get3A_701 = arith.constant 0 : index
    %get3A_702 = vector.load %arg1[%get3A_699, %get3A_700, %get3A_701] : memref<27x512x128xf32, #tpu.memory_space<vmem>>, vector<1x512x128xf32>
    %get3A_703 = vector.shape_cast %get3A_702 : vector<1x512x128xf32> to vector<512x128xf32>
    %mul3A_704 = arith.mulf %dot_general3A_698, %get3A_703 : vector<512x128xf32>
    %add3A_705 = arith.addf %add3A_691, %mul3A_704 : vector<512x128xf32>
    %get3A_706 = arith.constant 12 : index
    %get3A_707 = arith.constant 0 : index
    %get3A_708 = arith.constant 0 : index
    %get3A_709 = vector.load %arg6[%get3A_706, %get3A_707, %get3A_708] : memref<20x128x128xf32, #tpu.memory_space<vmem>>, vector<1x128x128xf32>
    %get3A_710 = vector.shape_cast %get3A_709 : vector<1x128x128xf32> to vector<128x128xf32>
    %dot_general3A_711 = arith.constant dense<0.000000e+00> : vector<512x128xf32>
    %dot_general3A_712 = tpu.matmul %div3A, %get3A_710, %dot_general3A_711 {dimension_numbers = #tpu.dot_dimension_numbers<[1], [0], [0], [1], [0, 0, 1, 1], [], []>, transpose_lhs_hint = false} : vector<512x128xf32>, vector<128x128xf32>, vector<512x128xf32> -> vector<512x128xf32>
    %get3A_713 = arith.constant 14 : index
    %get3A_714 = arith.constant 0 : index
    %get3A_715 = arith.constant 0 : index
    %get3A_716 = vector.load %arg1[%get3A_713, %get3A_714, %get3A_715] : memref<27x512x128xf32, #tpu.memory_space<vmem>>, vector<1x512x128xf32>
    %get3A_717 = vector.shape_cast %get3A_716 : vector<1x512x128xf32> to vector<512x128xf32>
    %mul3A_718 = arith.mulf %dot_general3A_712, %get3A_717 : vector<512x128xf32>
    %add3A_719 = arith.addf %add3A_705, %mul3A_718 : vector<512x128xf32>
    %get3A_720 = arith.constant 13 : index
    %get3A_721 = arith.constant 0 : index
    %get3A_722 = arith.constant 0 : index
    %get3A_723 = vector.load %arg6[%get3A_720, %get3A_721, %get3A_722] : memref<20x128x128xf32, #tpu.memory_space<vmem>>, vector<1x128x128xf32>
    %get3A_724 = vector.shape_cast %get3A_723 : vector<1x128x128xf32> to vector<128x128xf32>
    %dot_general3A_725 = arith.constant dense<0.000000e+00> : vector<512x128xf32>
    %dot_general3A_726 = tpu.matmul %div3A, %get3A_724, %dot_general3A_725 {dimension_numbers = #tpu.dot_dimension_numbers<[1], [0], [0], [1], [0, 0, 1, 1], [], []>, transpose_lhs_hint = false} : vector<512x128xf32>, vector<128x128xf32>, vector<512x128xf32> -> vector<512x128xf32>
    %get3A_727 = arith.constant 15 : index
    %get3A_728 = arith.constant 0 : index
    %get3A_729 = arith.constant 0 : index
    %get3A_730 = vector.load %arg1[%get3A_727, %get3A_728, %get3A_729] : memref<27x512x128xf32, #tpu.memory_space<vmem>>, vector<1x512x128xf32>
    %get3A_731 = vector.shape_cast %get3A_730 : vector<1x512x128xf32> to vector<512x128xf32>
    %mul3A_732 = arith.mulf %dot_general3A_726, %get3A_731 : vector<512x128xf32>
    %add3A_733 = arith.addf %add3A_719, %mul3A_732 : vector<512x128xf32>
    %get3A_734 = arith.constant 14 : index
    %get3A_735 = arith.constant 0 : index
    %get3A_736 = arith.constant 0 : index
    %get3A_737 = vector.load %arg6[%get3A_734, %get3A_735, %get3A_736] : memref<20x128x128xf32, #tpu.memory_space<vmem>>, vector<1x128x128xf32>
    %get3A_738 = vector.shape_cast %get3A_737 : vector<1x128x128xf32> to vector<128x128xf32>
    %dot_general3A_739 = arith.constant dense<0.000000e+00> : vector<512x128xf32>
    %dot_general3A_740 = tpu.matmul %div3A, %get3A_738, %dot_general3A_739 {dimension_numbers = #tpu.dot_dimension_numbers<[1], [0], [0], [1], [0, 0, 1, 1], [], []>, transpose_lhs_hint = false} : vector<512x128xf32>, vector<128x128xf32>, vector<512x128xf32> -> vector<512x128xf32>
    %get3A_741 = arith.constant 16 : index
    %get3A_742 = arith.constant 0 : index
    %get3A_743 = arith.constant 0 : index
    %get3A_744 = vector.load %arg1[%get3A_741, %get3A_742, %get3A_743] : memref<27x512x128xf32, #tpu.memory_space<vmem>>, vector<1x512x128xf32>
    %get3A_745 = vector.shape_cast %get3A_744 : vector<1x512x128xf32> to vector<512x128xf32>
    %mul3A_746 = arith.mulf %dot_general3A_740, %get3A_745 : vector<512x128xf32>
    %add3A_747 = arith.addf %add3A_733, %mul3A_746 : vector<512x128xf32>
    %get3A_748 = arith.constant 15 : index
    %get3A_749 = arith.constant 0 : index
    %get3A_750 = arith.constant 0 : index
    %get3A_751 = vector.load %arg6[%get3A_748, %get3A_749, %get3A_750] : memref<20x128x128xf32, #tpu.memory_space<vmem>>, vector<1x128x128xf32>
    %get3A_752 = vector.shape_cast %get3A_751 : vector<1x128x128xf32> to vector<128x128xf32>
    %dot_general3A_753 = arith.constant dense<0.000000e+00> : vector<512x128xf32>
    %dot_general3A_754 = tpu.matmul %div3A, %get3A_752, %dot_general3A_753 {dimension_numbers = #tpu.dot_dimension_numbers<[1], [0], [0], [1], [0, 0, 1, 1], [], []>, transpose_lhs_hint = false} : vector<512x128xf32>, vector<128x128xf32>, vector<512x128xf32> -> vector<512x128xf32>
    %get3A_755 = arith.constant 17 : index
    %get3A_756 = arith.constant 0 : index
    %get3A_757 = arith.constant 0 : index
    %get3A_758 = vector.load %arg1[%get3A_755, %get3A_756, %get3A_757] : memref<27x512x128xf32, #tpu.memory_space<vmem>>, vector<1x512x128xf32>
    %get3A_759 = vector.shape_cast %get3A_758 : vector<1x512x128xf32> to vector<512x128xf32>
    %mul3A_760 = arith.mulf %dot_general3A_754, %get3A_759 : vector<512x128xf32>
    %add3A_761 = arith.addf %add3A_747, %mul3A_760 : vector<512x128xf32>
    %get3A_762 = arith.constant 16 : index
    %get3A_763 = arith.constant 0 : index
    %get3A_764 = arith.constant 0 : index
    %get3A_765 = vector.load %arg6[%get3A_762, %get3A_763, %get3A_764] : memref<20x128x128xf32, #tpu.memory_space<vmem>>, vector<1x128x128xf32>
    %get3A_766 = vector.shape_cast %get3A_765 : vector<1x128x128xf32> to vector<128x128xf32>
    %dot_general3A_767 = arith.constant dense<0.000000e+00> : vector<512x128xf32>
    %dot_general3A_768 = tpu.matmul %div3A, %get3A_766, %dot_general3A_767 {dimension_numbers = #tpu.dot_dimension_numbers<[1], [0], [0], [1], [0, 0, 1, 1], [], []>, transpose_lhs_hint = false} : vector<512x128xf32>, vector<128x128xf32>, vector<512x128xf32> -> vector<512x128xf32>
    %get3A_769 = arith.constant 18 : index
    %get3A_770 = arith.constant 0 : index
    %get3A_771 = arith.constant 0 : index
    %get3A_772 = vector.load %arg1[%get3A_769, %get3A_770, %get3A_771] : memref<27x512x128xf32, #tpu.memory_space<vmem>>, vector<1x512x128xf32>
    %get3A_773 = vector.shape_cast %get3A_772 : vector<1x512x128xf32> to vector<512x128xf32>
    %mul3A_774 = arith.mulf %dot_general3A_768, %get3A_773 : vector<512x128xf32>
    %add3A_775 = arith.addf %add3A_761, %mul3A_774 : vector<512x128xf32>
    %get3A_776 = arith.constant 17 : index
    %get3A_777 = arith.constant 0 : index
    %get3A_778 = arith.constant 0 : index
    %get3A_779 = vector.load %arg6[%get3A_776, %get3A_777, %get3A_778] : memref<20x128x128xf32, #tpu.memory_space<vmem>>, vector<1x128x128xf32>
    %get3A_780 = vector.shape_cast %get3A_779 : vector<1x128x128xf32> to vector<128x128xf32>
    %dot_general3A_781 = arith.constant dense<0.000000e+00> : vector<512x128xf32>
    %dot_general3A_782 = tpu.matmul %div3A, %get3A_780, %dot_general3A_781 {dimension_numbers = #tpu.dot_dimension_numbers<[1], [0], [0], [1], [0, 0, 1, 1], [], []>, transpose_lhs_hint = false} : vector<512x128xf32>, vector<128x128xf32>, vector<512x128xf32> -> vector<512x128xf32>
    %get3A_783 = arith.constant 19 : index
    %get3A_784 = arith.constant 0 : index
    %get3A_785 = arith.constant 0 : index
    %get3A_786 = vector.load %arg1[%get3A_783, %get3A_784, %get3A_785] : memref<27x512x128xf32, #tpu.memory_space<vmem>>, vector<1x512x128xf32>
    %get3A_787 = vector.shape_cast %get3A_786 : vector<1x512x128xf32> to vector<512x128xf32>
    %mul3A_788 = arith.mulf %dot_general3A_782, %get3A_787 : vector<512x128xf32>
    %add3A_789 = arith.addf %add3A_775, %mul3A_788 : vector<512x128xf32>
    %get3A_790 = arith.constant 18 : index
    %get3A_791 = arith.constant 0 : index
    %get3A_792 = arith.constant 0 : index
    %get3A_793 = vector.load %arg6[%get3A_790, %get3A_791, %get3A_792] : memref<20x128x128xf32, #tpu.memory_space<vmem>>, vector<1x128x128xf32>
    %get3A_794 = vector.shape_cast %get3A_793 : vector<1x128x128xf32> to vector<128x128xf32>
    %dot_general3A_795 = arith.constant dense<0.000000e+00> : vector<512x128xf32>
    %dot_general3A_796 = tpu.matmul %div3A, %get3A_794, %dot_general3A_795 {dimension_numbers = #tpu.dot_dimension_numbers<[1], [0], [0], [1], [0, 0, 1, 1], [], []>, transpose_lhs_hint = false} : vector<512x128xf32>, vector<128x128xf32>, vector<512x128xf32> -> vector<512x128xf32>
    %get3A_797 = arith.constant 20 : index
    %get3A_798 = arith.constant 0 : index
    %get3A_799 = arith.constant 0 : index
    %get3A_800 = vector.load %arg1[%get3A_797, %get3A_798, %get3A_799] : memref<27x512x128xf32, #tpu.memory_space<vmem>>, vector<1x512x128xf32>
    %get3A_801 = vector.shape_cast %get3A_800 : vector<1x512x128xf32> to vector<512x128xf32>
    %mul3A_802 = arith.mulf %dot_general3A_796, %get3A_801 : vector<512x128xf32>
    %add3A_803 = arith.addf %add3A_789, %mul3A_802 : vector<512x128xf32>
    %get3A_804 = arith.constant 19 : index
    %get3A_805 = arith.constant 0 : index
    %get3A_806 = arith.constant 0 : index
    %get3A_807 = vector.load %arg6[%get3A_804, %get3A_805, %get3A_806] : memref<20x128x128xf32, #tpu.memory_space<vmem>>, vector<1x128x128xf32>
    %get3A_808 = vector.shape_cast %get3A_807 : vector<1x128x128xf32> to vector<128x128xf32>
    %dot_general3A_809 = arith.constant dense<0.000000e+00> : vector<512x128xf32>
    %dot_general3A_810 = tpu.matmul %div3A, %get3A_808, %dot_general3A_809 {dimension_numbers = #tpu.dot_dimension_numbers<[1], [0], [0], [1], [0, 0, 1, 1], [], []>, transpose_lhs_hint = false} : vector<512x128xf32>, vector<128x128xf32>, vector<512x128xf32> -> vector<512x128xf32>
    %get3A_811 = arith.constant 21 : index
    %get3A_812 = arith.constant 0 : index
    %get3A_813 = arith.constant 0 : index
    %get3A_814 = vector.load %arg1[%get3A_811, %get3A_812, %get3A_813] : memref<27x512x128xf32, #tpu.memory_space<vmem>>, vector<1x512x128xf32>
    %get3A_815 = vector.shape_cast %get3A_814 : vector<1x512x128xf32> to vector<512x128xf32>
    %mul3A_816 = arith.mulf %dot_general3A_810, %get3A_815 : vector<512x128xf32>
    %add3A_817 = arith.addf %add3A_803, %mul3A_816 : vector<512x128xf32>
    %add3A_818 = arith.addf %neg3A_17, %dot_general3A_530 : vector<512x128xf32>
    %min3A = arith.constant 0.000000e+00 : f32
    %min3A_819 = vector.broadcast %min3A : f32 to vector<512x128xf32>
    %min3A_820 = arith.minimumf %add3A_818, %min3A_819 : vector<512x128xf32>
    %abs3A_821 = math.absf %add3A_818 : vector<512x128xf32>
    %neg3A_822 = arith.constant 0.000000e+00 : f32
    %neg3A_823 = vector.broadcast %neg3A_822 : f32 to vector<512x128xf32>
    %neg3A_824 = arith.subf %neg3A_823, %abs3A_821 : vector<512x128xf32>
    %exp3A_825 = math.exp %neg3A_824 : vector<512x128xf32>
    %log1p3A = math.log1p %exp3A_825 : vector<512x128xf32>
    %sub3A_826 = arith.subf %min3A_820, %log1p3A : vector<512x128xf32>
    %get3A_827 = arith.constant 22 : index
    %get3A_828 = arith.constant 0 : index
    %get3A_829 = arith.constant 0 : index
    %get3A_830 = vector.load %arg1[%get3A_827, %get3A_828, %get3A_829] : memref<27x512x128xf32, #tpu.memory_space<vmem>>, vector<1x512x128xf32>
    %get3A_831 = vector.shape_cast %get3A_830 : vector<1x512x128xf32> to vector<512x128xf32>
    %sub3A_832 = arith.subf %get3A_3, %get3A_831 : vector<512x128xf32>
    %mul3A_833 = arith.mulf %sub3A_832, %sub3A_832 : vector<512x128xf32>
    %dot_general3A_834 = arith.constant dense<0.000000e+00> : vector<512x128xf32>
    %dot_general3A_835 = tpu.matmul %mul3A_833, %get3A_11, %dot_general3A_834 {dimension_numbers = #tpu.dot_dimension_numbers<[1], [0], [0], [1], [0, 0, 1, 1], [], []>, transpose_lhs_hint = false} : vector<512x128xf32>, vector<128x128xf32>, vector<512x128xf32> -> vector<512x128xf32>
    %neg3A_836 = arith.constant 0.000000e+00 : f32
    %neg3A_837 = vector.broadcast %neg3A_836 : f32 to vector<512x128xf32>
    %neg3A_838 = arith.subf %neg3A_837, %dot_general3A_835 : vector<512x128xf32>
    %mul3A_839 = arith.mulf %get3A_831, %get3A_831 : vector<512x128xf32>
    %dot_general3A_840 = arith.constant dense<0.000000e+00> : vector<512x128xf32>
    %dot_general3A_841 = tpu.matmul %mul3A_839, %get3A_11, %dot_general3A_840 {dimension_numbers = #tpu.dot_dimension_numbers<[1], [0], [0], [1], [0, 0, 1, 1], [], []>, transpose_lhs_hint = false} : vector<512x128xf32>, vector<128x128xf32>, vector<512x128xf32> -> vector<512x128xf32>
    %mul3A_842 = arith.mulf %add3A_817, %get3A_831 : vector<512x128xf32>
    %dot_general3A_843 = arith.constant dense<0.000000e+00> : vector<512x128xf32>
    %dot_general3A_844 = tpu.matmul %mul3A_842, %get3A_11, %dot_general3A_843 {dimension_numbers = #tpu.dot_dimension_numbers<[1], [0], [0], [1], [0, 0, 1, 1], [], []>, transpose_lhs_hint = false} : vector<512x128xf32>, vector<128x128xf32>, vector<512x128xf32> -> vector<512x128xf32>
    %sub3A_845 = arith.subf %neg3A_838, %dot_general3A_535 : vector<512x128xf32>
    %mul3A_846 = arith.mulf %dot_general3A_532, %dot_general3A_841 : vector<512x128xf32>
    %sub3A_847 = arith.subf %sub3A_845, %mul3A_846 : vector<512x128xf32>
    %mul3A_848 = arith.constant 2.000000e+00 : f32
    %mul3A_849 = vector.broadcast %mul3A_848 : f32 to vector<512x128xf32>
    %mul3A_850 = arith.mulf %mul3A_849, %dot_general3A_844 : vector<512x128xf32>
    %add3A_851 = arith.addf %sub3A_847, %mul3A_850 : vector<512x128xf32>
    %min3A_852 = arith.constant 0.000000e+00 : f32
    %min3A_853 = vector.broadcast %min3A_852 : f32 to vector<512x128xf32>
    %min3A_854 = arith.minimumf %add3A_851, %min3A_853 : vector<512x128xf32>
    %abs3A_855 = math.absf %add3A_851 : vector<512x128xf32>
    %neg3A_856 = arith.constant 0.000000e+00 : f32
    %neg3A_857 = vector.broadcast %neg3A_856 : f32 to vector<512x128xf32>
    %neg3A_858 = arith.subf %neg3A_857, %abs3A_855 : vector<512x128xf32>
    %exp3A_859 = math.exp %neg3A_858 : vector<512x128xf32>
    %log1p3A_860 = math.log1p %exp3A_859 : vector<512x128xf32>
    %sub3A_861 = arith.subf %min3A_854, %log1p3A_860 : vector<512x128xf32>
    %sub3A_862 = arith.subf %sub3A_826, %sub3A_861 : vector<512x128xf32>
    %get3A_863 = arith.constant 23 : index
    %get3A_864 = arith.constant 0 : index
    %get3A_865 = arith.constant 0 : index
    %get3A_866 = vector.load %arg1[%get3A_863, %get3A_864, %get3A_865] : memref<27x512x128xf32, #tpu.memory_space<vmem>>, vector<1x512x128xf32>
    %get3A_867 = vector.shape_cast %get3A_866 : vector<1x512x128xf32> to vector<512x128xf32>
    %sub3A_868 = arith.subf %get3A_3, %get3A_867 : vector<512x128xf32>
    %mul3A_869 = arith.mulf %sub3A_868, %sub3A_868 : vector<512x128xf32>
    %dot_general3A_870 = arith.constant dense<0.000000e+00> : vector<512x128xf32>
    %dot_general3A_871 = tpu.matmul %mul3A_869, %get3A_11, %dot_general3A_870 {dimension_numbers = #tpu.dot_dimension_numbers<[1], [0], [0], [1], [0, 0, 1, 1], [], []>, transpose_lhs_hint = false} : vector<512x128xf32>, vector<128x128xf32>, vector<512x128xf32> -> vector<512x128xf32>
    %neg3A_872 = arith.constant 0.000000e+00 : f32
    %neg3A_873 = vector.broadcast %neg3A_872 : f32 to vector<512x128xf32>
    %neg3A_874 = arith.subf %neg3A_873, %dot_general3A_871 : vector<512x128xf32>
    %mul3A_875 = arith.mulf %get3A_867, %get3A_867 : vector<512x128xf32>
    %dot_general3A_876 = arith.constant dense<0.000000e+00> : vector<512x128xf32>
    %dot_general3A_877 = tpu.matmul %mul3A_875, %get3A_11, %dot_general3A_876 {dimension_numbers = #tpu.dot_dimension_numbers<[1], [0], [0], [1], [0, 0, 1, 1], [], []>, transpose_lhs_hint = false} : vector<512x128xf32>, vector<128x128xf32>, vector<512x128xf32> -> vector<512x128xf32>
    %mul3A_878 = arith.mulf %add3A_817, %get3A_867 : vector<512x128xf32>
    %dot_general3A_879 = arith.constant dense<0.000000e+00> : vector<512x128xf32>
    %dot_general3A_880 = tpu.matmul %mul3A_878, %get3A_11, %dot_general3A_879 {dimension_numbers = #tpu.dot_dimension_numbers<[1], [0], [0], [1], [0, 0, 1, 1], [], []>, transpose_lhs_hint = false} : vector<512x128xf32>, vector<128x128xf32>, vector<512x128xf32> -> vector<512x128xf32>
    %sub3A_881 = arith.subf %neg3A_874, %dot_general3A_535 : vector<512x128xf32>
    %mul3A_882 = arith.mulf %dot_general3A_532, %dot_general3A_877 : vector<512x128xf32>
    %sub3A_883 = arith.subf %sub3A_881, %mul3A_882 : vector<512x128xf32>
    %mul3A_884 = arith.constant 2.000000e+00 : f32
    %mul3A_885 = vector.broadcast %mul3A_884 : f32 to vector<512x128xf32>
    %mul3A_886 = arith.mulf %mul3A_885, %dot_general3A_880 : vector<512x128xf32>
    %add3A_887 = arith.addf %sub3A_883, %mul3A_886 : vector<512x128xf32>
    %min3A_888 = arith.constant 0.000000e+00 : f32
    %min3A_889 = vector.broadcast %min3A_888 : f32 to vector<512x128xf32>
    %min3A_890 = arith.minimumf %add3A_887, %min3A_889 : vector<512x128xf32>
    %abs3A_891 = math.absf %add3A_887 : vector<512x128xf32>
    %neg3A_892 = arith.constant 0.000000e+00 : f32
    %neg3A_893 = vector.broadcast %neg3A_892 : f32 to vector<512x128xf32>
    %neg3A_894 = arith.subf %neg3A_893, %abs3A_891 : vector<512x128xf32>
    %exp3A_895 = math.exp %neg3A_894 : vector<512x128xf32>
    %log1p3A_896 = math.log1p %exp3A_895 : vector<512x128xf32>
    %sub3A_897 = arith.subf %min3A_890, %log1p3A_896 : vector<512x128xf32>
    %sub3A_898 = arith.subf %sub3A_862, %sub3A_897 : vector<512x128xf32>
    %get3A_899 = arith.constant 24 : index
    %get3A_900 = arith.constant 0 : index
    %get3A_901 = arith.constant 0 : index
    %get3A_902 = vector.load %arg1[%get3A_899, %get3A_900, %get3A_901] : memref<27x512x128xf32, #tpu.memory_space<vmem>>, vector<1x512x128xf32>
    %get3A_903 = vector.shape_cast %get3A_902 : vector<1x512x128xf32> to vector<512x128xf32>
    %sub3A_904 = arith.subf %get3A_3, %get3A_903 : vector<512x128xf32>
    %mul3A_905 = arith.mulf %sub3A_904, %sub3A_904 : vector<512x128xf32>
    %dot_general3A_906 = arith.constant dense<0.000000e+00> : vector<512x128xf32>
    %dot_general3A_907 = tpu.matmul %mul3A_905, %get3A_11, %dot_general3A_906 {dimension_numbers = #tpu.dot_dimension_numbers<[1], [0], [0], [1], [0, 0, 1, 1], [], []>, transpose_lhs_hint = false} : vector<512x128xf32>, vector<128x128xf32>, vector<512x128xf32> -> vector<512x128xf32>
    %neg3A_908 = arith.constant 0.000000e+00 : f32
    %neg3A_909 = vector.broadcast %neg3A_908 : f32 to vector<512x128xf32>
    %neg3A_910 = arith.subf %neg3A_909, %dot_general3A_907 : vector<512x128xf32>
    %mul3A_911 = arith.mulf %get3A_903, %get3A_903 : vector<512x128xf32>
    %dot_general3A_912 = arith.constant dense<0.000000e+00> : vector<512x128xf32>
    %dot_general3A_913 = tpu.matmul %mul3A_911, %get3A_11, %dot_general3A_912 {dimension_numbers = #tpu.dot_dimension_numbers<[1], [0], [0], [1], [0, 0, 1, 1], [], []>, transpose_lhs_hint = false} : vector<512x128xf32>, vector<128x128xf32>, vector<512x128xf32> -> vector<512x128xf32>
    %mul3A_914 = arith.mulf %add3A_817, %get3A_903 : vector<512x128xf32>
    %dot_general3A_915 = arith.constant dense<0.000000e+00> : vector<512x128xf32>
    %dot_general3A_916 = tpu.matmul %mul3A_914, %get3A_11, %dot_general3A_915 {dimension_numbers = #tpu.dot_dimension_numbers<[1], [0], [0], [1], [0, 0, 1, 1], [], []>, transpose_lhs_hint = false} : vector<512x128xf32>, vector<128x128xf32>, vector<512x128xf32> -> vector<512x128xf32>
    %sub3A_917 = arith.subf %neg3A_910, %dot_general3A_535 : vector<512x128xf32>
    %mul3A_918 = arith.mulf %dot_general3A_532, %dot_general3A_913 : vector<512x128xf32>
    %sub3A_919 = arith.subf %sub3A_917, %mul3A_918 : vector<512x128xf32>
    %mul3A_920 = arith.constant 2.000000e+00 : f32
    %mul3A_921 = vector.broadcast %mul3A_920 : f32 to vector<512x128xf32>
    %mul3A_922 = arith.mulf %mul3A_921, %dot_general3A_916 : vector<512x128xf32>
    %add3A_923 = arith.addf %sub3A_919, %mul3A_922 : vector<512x128xf32>
    %min3A_924 = arith.constant 0.000000e+00 : f32
    %min3A_925 = vector.broadcast %min3A_924 : f32 to vector<512x128xf32>
    %min3A_926 = arith.minimumf %add3A_923, %min3A_925 : vector<512x128xf32>
    %abs3A_927 = math.absf %add3A_923 : vector<512x128xf32>
    %neg3A_928 = arith.constant 0.000000e+00 : f32
    %neg3A_929 = vector.broadcast %neg3A_928 : f32 to vector<512x128xf32>
    %neg3A_930 = arith.subf %neg3A_929, %abs3A_927 : vector<512x128xf32>
    %exp3A_931 = math.exp %neg3A_930 : vector<512x128xf32>
    %log1p3A_932 = math.log1p %exp3A_931 : vector<512x128xf32>
    %sub3A_933 = arith.subf %min3A_926, %log1p3A_932 : vector<512x128xf32>
    %sub3A_934 = arith.subf %sub3A_898, %sub3A_933 : vector<512x128xf32>
    %get3A_935 = arith.constant 25 : index
    %get3A_936 = arith.constant 0 : index
    %get3A_937 = arith.constant 0 : index
    %get3A_938 = vector.load %arg1[%get3A_935, %get3A_936, %get3A_937] : memref<27x512x128xf32, #tpu.memory_space<vmem>>, vector<1x512x128xf32>
    %get3A_939 = vector.shape_cast %get3A_938 : vector<1x512x128xf32> to vector<512x128xf32>
    %sub3A_940 = arith.subf %get3A_3, %get3A_939 : vector<512x128xf32>
    %mul3A_941 = arith.mulf %sub3A_940, %sub3A_940 : vector<512x128xf32>
    %dot_general3A_942 = arith.constant dense<0.000000e+00> : vector<512x128xf32>
    %dot_general3A_943 = tpu.matmul %mul3A_941, %get3A_11, %dot_general3A_942 {dimension_numbers = #tpu.dot_dimension_numbers<[1], [0], [0], [1], [0, 0, 1, 1], [], []>, transpose_lhs_hint = false} : vector<512x128xf32>, vector<128x128xf32>, vector<512x128xf32> -> vector<512x128xf32>
    %neg3A_944 = arith.constant 0.000000e+00 : f32
    %neg3A_945 = vector.broadcast %neg3A_944 : f32 to vector<512x128xf32>
    %neg3A_946 = arith.subf %neg3A_945, %dot_general3A_943 : vector<512x128xf32>
    %mul3A_947 = arith.mulf %get3A_939, %get3A_939 : vector<512x128xf32>
    %dot_general3A_948 = arith.constant dense<0.000000e+00> : vector<512x128xf32>
    %dot_general3A_949 = tpu.matmul %mul3A_947, %get3A_11, %dot_general3A_948 {dimension_numbers = #tpu.dot_dimension_numbers<[1], [0], [0], [1], [0, 0, 1, 1], [], []>, transpose_lhs_hint = false} : vector<512x128xf32>, vector<128x128xf32>, vector<512x128xf32> -> vector<512x128xf32>
    %mul3A_950 = arith.mulf %add3A_817, %get3A_939 : vector<512x128xf32>
    %dot_general3A_951 = arith.constant dense<0.000000e+00> : vector<512x128xf32>
    %dot_general3A_952 = tpu.matmul %mul3A_950, %get3A_11, %dot_general3A_951 {dimension_numbers = #tpu.dot_dimension_numbers<[1], [0], [0], [1], [0, 0, 1, 1], [], []>, transpose_lhs_hint = false} : vector<512x128xf32>, vector<128x128xf32>, vector<512x128xf32> -> vector<512x128xf32>
    %sub3A_953 = arith.subf %neg3A_946, %dot_general3A_535 : vector<512x128xf32>
    %mul3A_954 = arith.mulf %dot_general3A_532, %dot_general3A_949 : vector<512x128xf32>
    %sub3A_955 = arith.subf %sub3A_953, %mul3A_954 : vector<512x128xf32>
    %mul3A_956 = arith.constant 2.000000e+00 : f32
    %mul3A_957 = vector.broadcast %mul3A_956 : f32 to vector<512x128xf32>
    %mul3A_958 = arith.mulf %mul3A_957, %dot_general3A_952 : vector<512x128xf32>
    %add3A_959 = arith.addf %sub3A_955, %mul3A_958 : vector<512x128xf32>
    %min3A_960 = arith.constant 0.000000e+00 : f32
    %min3A_961 = vector.broadcast %min3A_960 : f32 to vector<512x128xf32>
    %min3A_962 = arith.minimumf %add3A_959, %min3A_961 : vector<512x128xf32>
    %abs3A_963 = math.absf %add3A_959 : vector<512x128xf32>
    %neg3A_964 = arith.constant 0.000000e+00 : f32
    %neg3A_965 = vector.broadcast %neg3A_964 : f32 to vector<512x128xf32>
    %neg3A_966 = arith.subf %neg3A_965, %abs3A_963 : vector<512x128xf32>
    %exp3A_967 = math.exp %neg3A_966 : vector<512x128xf32>
    %log1p3A_968 = math.log1p %exp3A_967 : vector<512x128xf32>
    %sub3A_969 = arith.subf %min3A_962, %log1p3A_968 : vector<512x128xf32>
    %sub3A_970 = arith.subf %sub3A_934, %sub3A_969 : vector<512x128xf32>
    %get3A_971 = arith.constant 26 : index
    %get3A_972 = arith.constant 0 : index
    %get3A_973 = arith.constant 0 : index
    %get3A_974 = vector.load %arg1[%get3A_971, %get3A_972, %get3A_973] : memref<27x512x128xf32, #tpu.memory_space<vmem>>, vector<1x512x128xf32>
    %get3A_975 = vector.shape_cast %get3A_974 : vector<1x512x128xf32> to vector<512x128xf32>
    %sub3A_976 = arith.subf %get3A_3, %get3A_975 : vector<512x128xf32>
    %mul3A_977 = arith.mulf %sub3A_976, %sub3A_976 : vector<512x128xf32>
    %dot_general3A_978 = arith.constant dense<0.000000e+00> : vector<512x128xf32>
    %dot_general3A_979 = tpu.matmul %mul3A_977, %get3A_11, %dot_general3A_978 {dimension_numbers = #tpu.dot_dimension_numbers<[1], [0], [0], [1], [0, 0, 1, 1], [], []>, transpose_lhs_hint = false} : vector<512x128xf32>, vector<128x128xf32>, vector<512x128xf32> -> vector<512x128xf32>
    %neg3A_980 = arith.constant 0.000000e+00 : f32
    %neg3A_981 = vector.broadcast %neg3A_980 : f32 to vector<512x128xf32>
    %neg3A_982 = arith.subf %neg3A_981, %dot_general3A_979 : vector<512x128xf32>
    %mul3A_983 = arith.mulf %get3A_975, %get3A_975 : vector<512x128xf32>
    %dot_general3A_984 = arith.constant dense<0.000000e+00> : vector<512x128xf32>
    %dot_general3A_985 = tpu.matmul %mul3A_983, %get3A_11, %dot_general3A_984 {dimension_numbers = #tpu.dot_dimension_numbers<[1], [0], [0], [1], [0, 0, 1, 1], [], []>, transpose_lhs_hint = false} : vector<512x128xf32>, vector<128x128xf32>, vector<512x128xf32> -> vector<512x128xf32>
    %mul3A_986 = arith.mulf %add3A_817, %get3A_975 : vector<512x128xf32>
    %dot_general3A_987 = arith.constant dense<0.000000e+00> : vector<512x128xf32>
    %dot_general3A_988 = tpu.matmul %mul3A_986, %get3A_11, %dot_general3A_987 {dimension_numbers = #tpu.dot_dimension_numbers<[1], [0], [0], [1], [0, 0, 1, 1], [], []>, transpose_lhs_hint = false} : vector<512x128xf32>, vector<128x128xf32>, vector<512x128xf32> -> vector<512x128xf32>
    %sub3A_989 = arith.subf %neg3A_982, %dot_general3A_535 : vector<512x128xf32>
    %mul3A_990 = arith.mulf %dot_general3A_532, %dot_general3A_985 : vector<512x128xf32>
    %sub3A_991 = arith.subf %sub3A_989, %mul3A_990 : vector<512x128xf32>
    %mul3A_992 = arith.constant 2.000000e+00 : f32
    %mul3A_993 = vector.broadcast %mul3A_992 : f32 to vector<512x128xf32>
    %mul3A_994 = arith.mulf %mul3A_993, %dot_general3A_988 : vector<512x128xf32>
    %add3A_995 = arith.addf %sub3A_991, %mul3A_994 : vector<512x128xf32>
    %min3A_996 = arith.constant 0.000000e+00 : f32
    %min3A_997 = vector.broadcast %min3A_996 : f32 to vector<512x128xf32>
    %min3A_998 = arith.minimumf %add3A_995, %min3A_997 : vector<512x128xf32>
    %abs3A_999 = math.absf %add3A_995 : vector<512x128xf32>
    %neg3A_1000 = arith.constant 0.000000e+00 : f32
    %neg3A_1001 = vector.broadcast %neg3A_1000 : f32 to vector<512x128xf32>
    %neg3A_1002 = arith.subf %neg3A_1001, %abs3A_999 : vector<512x128xf32>
    %exp3A_1003 = math.exp %neg3A_1002 : vector<512x128xf32>
    %log1p3A_1004 = math.log1p %exp3A_1003 : vector<512x128xf32>
    %sub3A_1005 = arith.subf %min3A_998, %log1p3A_1004 : vector<512x128xf32>
    %sub3A_1006 = arith.subf %sub3A_970, %sub3A_1005 : vector<512x128xf32>
    %swap3A = arith.constant 0 : index
    %swap3A_1007 = arith.constant 0 : index
    %swap3A_1008 = vector.load %arg9[%swap3A, %swap3A_1007] : memref<512x128xf32, #tpu.memory_space<vmem>>, vector<512x128xf32>
    tpu.vector_store %arg9[%swap3A, %swap3A_1007], %sub3A_1006 {strides = array<i32>} : memref<512x128xf32, #tpu.memory_space<vmem>>, vector<512x128xf32>,
    return
  }
  func.func @transform_0(%arg0: i32) -> (i32, i32, i32) {
    %c0_i32 = arith.constant 0 : i32
    %c0_i32_0 = arith.constant 0 : i32
    %c0_i32_1 = arith.constant 0 : i32
    return %c0_i32, %arg0, %c0_i32_0 : i32, i32, i32
  }
  func.func @transform_1(%arg0: i32) -> (i32, i32) {
    %c0_i32 = arith.constant 0 : i32
    %c0_i32_0 = arith.constant 0 : i32
    return %arg0, %c0_i32 : i32, i32
  }
  func.func @transform_2(%arg0: i32) -> (i32, i32) {
    %c0_i32 = arith.constant 0 : i32
    %c0_i32_0 = arith.constant 0 : i32
    return %arg0, %c0_i32 : i32, i32
  }
  func.func @transform_3(%arg0: i32) -> (i32, i32) {
    %c0_i32 = arith.constant 0 : i32
    %c0_i32_0 = arith.constant 0 : i32
    return %arg0, %c0_i32 : i32, i32
  }
  func.func @transform_4(%arg0: i32) -> (i32, i32, i32) {
    %c0_i32 = arith.constant 0 : i32
    %c0_i32_0 = arith.constant 0 : i32
    %c0_i32_1 = arith.constant 0 : i32
    %c0_i32_2 = arith.constant 0 : i32
    return %c0_i32, %c0_i32_0, %c0_i32_1 : i32, i32, i32
  }
  func.func @transform_5(%arg0: i32) -> (i32, i32, i32) {
    %c0_i32 = arith.constant 0 : i32
    %c0_i32_0 = arith.constant 0 : i32
    %c0_i32_1 = arith.constant 0 : i32
    %c0_i32_2 = arith.constant 0 : i32
    return %c0_i32, %c0_i32_0, %c0_i32_1 : i32, i32, i32
  }
  func.func @transform_6(%arg0: i32) -> (i32, i32) {
    %c0_i32 = arith.constant 0 : i32
    %c0_i32_0 = arith.constant 0 : i32
    %c0_i32_1 = arith.constant 0 : i32
    return %c0_i32, %c0_i32_0 : i32, i32
  }
  func.func @transform_7(%arg0: i32) -> (i32, i32) {
    %c0_i32 = arith.constant 0 : i32
    %c0_i32_0 = arith.constant 0 : i32
    %c0_i32_1 = arith.constant 0 : i32
    return %c0_i32, %c0_i32_0 : i32, i32
  }
  func.func @transform_8(%arg0: i32) -> (i32, i32) {
    %c0_i32 = arith.constant 0 : i32
    %c0_i32_0 = arith.constant 0 : i32
    return %arg0, %c0_i32 : i32, i32
  }
}

</mosaic_0001>

<sc_bundles>
// kernel: kernel.4.cloned.1.call-start
scs
__scs_entry_jumppad:
0x0: {  	(pc) =	sbr.rel $0x88, $3  }
0x1: {  	(tag) =	ssettag $0x0;
	lr =	simm.s32 $0x1  }
0x2: {  	[smem:$0x3F99] =	sst lr;
	_ =	strace $0xD0000000  }
0x3: {  	_ = 	snop  }
0x4: {  	_ = 	snop  }
0x5: {  	_ = 	snop  }
0x6: {  	_ = 	snop  }
0x7: {  	_ = 	snop  }
__scs_overlays_trampoline_lowered:
0x8: {  	[smem:$0x3FA8] =	sst s0  }
0x9: {  	[smem:$0x3FA9] =	sst s1  }
0xa: {  	[smem:$0x3FAA] =	sst s2  }
0xb: {  	[smem:$0x3FAB] =	sst s3  }
0xc: {  	[smem:$0x3FAC] =	sst s4  }
0xd: {  	[smem:$0x3FAD] =	sst s5  }
0xe: {  	[smem:$0x3FAE] =	sst s6  }
0xf: {  	[smem:$0x3FAF] =	sst s7  }
0x10: {  	[smem:$0x3FB0] =	sst s8  }
0x11: {  	[smem:$0x3FB1] =	sst s9;
	s0 =	simm.s32 @!p0 $0x0  }
0x12: {  	s1 =	sld [smem:$0x3F97];
	s0 =	simm.s32 @p0 $0x1  }
0x13: {  	[smem:$0x3FB2] =	sst s0;
	s0 =	simm.s32 @!p1 $0x0  }
0x14: {  	s2 =	sld [smem:$0x3F96];
	s0 =	simm.s32 @p1 $0x1  }
0x15: {  	[smem:$0x3FB3] =	sst s0;
	s0 =	simm.s32 @!p2 $0x0  }
0x16: {  	s3 =	sld [smem:$0x3FDB];
	s0 =	simm.s32 @p2 $0x1  }
0x17: {  	s4 =	simm.s32 $0x1BF5;
	[smem:$0x3FB5] =	sst s0  }
0x18: {  	s0 =	sld [smem:$0x3F98];
	_ =	swait.ge [sflag:s4], $0x0  }
0x19: {  	s7 =	sld [smem:$0x3F99]  }
0x1a: {  	s8 =	sadd.s32 $0xFFFFE003, lr  }
0x1b: {  	s9 =	sadd.s32 $0xFFFFFEF7, lr;
	s5 =	simm.s32 $0xFFFFFFFF;
	p2 =	slt.u32 s8, $0xFFFFF086  }
0x1c: {  	p1 =	slt.u32 s9, $0xF7A;
	s5 =	simm.s32 @!p2 $0x0  }
0x1d: {  	s5 =	simm.s32 @p1 $0x1;
	p0 =	seq.s32 s7, s2  }
0x1e: {  	s7 =	smul.u32 @!p0 $0xF7A, s2;
	p2 =	seq.s32 @!p0 s5, $0x0  }
0x1f: {  	s9 =	smul.u32 $0xF7A, s1;
	s8 =	simm.s32 @!p0 $0x1BF5;
	p2 =	por !p2, p0  }
0x20: {  	[sflag:s8] =	ssyncset.s32 @!p0 $0xFFFFF086;
	s6 =	sadd.s32 @!p0 s3, s7;
	s7 =	simm.s32 @!p0 $0x108  }
0x21: {  	s3 =	sadd.s32 s3, s9;
	s6 =	sadd.s32 @!p0 $0x88, s6;
	s7 =	simm.s32 @p2 $0x1082  }
0x22: {  	[simem:s7], [sflag:s8] =	dma.local @!p0 [hbm:s6], $0xF7A  }
0x23: {  	s9 =	sor.u32 $0xD0000000, s2;
	s6 =	simm.s32 $0x108;
	_ =	swait.ge @!p0 [sflag:s8], $0x0  }
0x24: {  	s3 =	sadd.s32 $0x88, s3;
	s6 =	simm.s32 @!p1 $0x1082;
	[sflag:s4] =	ssyncset.s32 $0xFFFFF086  }
0x25: {  	[simem:s6], [sflag:s4] =	dma.local [hbm:s3], $0xF7A  }
0x26: {  	[smem:$0x3F99] =	sst s1;
	(tag) =	ssettag s2;
	_ =	strace s9  }
0x27: {  	s1 =	sld [smem:$0x3FA9]  }
0x28: {  	s2 =	sld [smem:$0x3FAA]  }
0x29: {  	s4 =	sld [smem:$0x3FAC]  }
0x2a: {  	p0 =	seq.s32 s5, $0x0;
	s5 =	sld [smem:$0x3FAD]  }
0x2b: {  	s6 =	sld [smem:$0x3FAE]  }
0x2c: {  	s7 =	sld [smem:$0x3FAF]  }
0x2d: {  	s3 =	simm.s32 $0x108;
	s8 =	sld [smem:$0x3FB0]  }
0x2e: {  	s3 =	simm.s32 @!p0 $0x1082;
	s9 =	sld [smem:$0x3FB1]  }
0x2f: {  	lr =	sadd.s32 s0, s3;
	s0 =	sld [smem:$0x3FA8]  }
0x30: {  	s3 =	sld [smem:$0x3FAB]  }
0x31: {  	[smem:$0x3FB4] =	sst s10  }
0x32: {  	s10 =	sld [smem:$0x3FB2];
	_ =	sdelay $0x3  }
0x33: {  	p0 =	seq.s32 s10, $0x1;
	s10 =	sld [smem:$0x3FB4];
	_ =	sdelay $0x3  }
0x34: {  	[smem:$0x3FB4] =	sst s10  }
0x35: {  	s10 =	sld [smem:$0x3FB3];
	_ =	sdelay $0x3  }
0x36: {  	p1 =	seq.s32 s10, $0x1;
	s10 =	sld [smem:$0x3FB4];
	_ =	sdelay $0x3  }
0x37: {  	[smem:$0x3FB4] =	sst s10  }
0x38: {  	s10 =	sld [smem:$0x3FB5]  }
0x39: {  	_ = 	snop;
	(pc) =	sbr.ind lr, $3  }
0x3a: {  	_ = 	snop  }
0x3b: {  	_ = 	snop  }
0x3c: {  	p2 =	seq.s32 s10, $0x1;
	s10 =	sld [smem:$0x3FB4]  }
0x3d: {  	_ =	shalt  }
0x3e: {  	_ =	shalt  }
0x3f: {  	_ =	shalt  }
0x40: {  	_ =	shalt  }
0x41: {  	_ =	shalt  }
0x42: {  	_ =	shalt  }
0x43: {  	_ =	shalt  }
0x44: {  	_ =	shalt  }
0x45: {  	_ =	shalt  }
0x46: {  	_ =	shalt  }
0x47: {  	_ =	shalt  }
0x48: {  	_ =	shalt  }
0x49: {  	_ =	shalt  }
0x4a: {  	_ =	shalt  }
0x4b: {  	_ =	shalt  }
0x4c: {  	_ =	shalt  }
0x4d: {  	_ =	shalt  }
0x4e: {  	_ =	shalt  }
0x4f: {  	_ =	shalt  }
0x50: {  	_ =	shalt  }
0x51: {  	_ =	shalt  }
0x52: {  	_ =	shalt  }
0x53: {  	_ =	shalt  }
0x54: {  	_ =	shalt  }
0x55: {  	_ =	shalt  }
0x56: {  	_ =	shalt  }
0x57: {  	_ =	shalt  }
0x58: {  	_ =	shalt  }
0x59: {  	_ =	shalt  }
0x5a: {  	_ =	shalt  }
0x5b: {  	_ =	shalt  }
0x5c: {  	_ =	shalt  }
0x5d: {  	_ =	shalt  }
0x5e: {  	_ =	shalt  }
0x5f: {  	_ =	shalt  }
0x60: {  	_ =	shalt  }
0x61: {  	_ =	shalt  }
0x62: {  	_ =	shalt  }
0x63: {  	_ =	shalt  }
0x64: {  	_ =	shalt  }
0x65: {  	_ =	shalt  }
0x66: {  	_ =	shalt  }
0x67: {  	_ =	shalt  }
0x68: {  	_ =	shalt  }
0x69: {  	_ =	shalt  }
0x6a: {  	_ =	shalt  }
0x6b: {  	_ =	shalt  }
0x6c: {  	_ =	shalt  }
0x6d: {  	_ =	shalt  }
0x6e: {  	_ =	shalt  }
0x6f: {  	_ =	shalt  }
0x70: {  	_ =	shalt  }
0x71: {  	_ =	shalt  }
0x72: {  	_ =	shalt  }
0x73: {  	_ =	shalt  }
0x74: {  	_ =	shalt  }
0x75: {  	_ =	shalt  }
0x76: {  	_ =	shalt  }
0x77: {  	_ =	shalt  }
0x78: {  	_ =	shalt  }
0x79: {  	_ =	shalt  }
0x7a: {  	_ =	shalt  }
0x7b: {  	_ =	shalt  }
0x7c: {  	_ =	shalt  }
0x7d: {  	_ =	shalt  }
0x7e: {  	_ =	shalt  }
0x7f: {  	_ =	shalt  }
0x80: {  	_ =	shalt  }
0x81: {  	_ =	shalt  }
0x82: {  	_ =	shalt  }
0x83: {  	_ =	shalt  }
0x84: {  	_ =	shalt  }
0x85: {  	_ =	shalt  }
0x86: {  	_ =	shalt  }
0x87: {  	_ =	shalt  }
.Lfunc_end0:
.L_simem_size_0:
called_computation_lowered:
.L_overlay_start_0:
0x88: {  	s2 =	sld [smem:$0x3FD9]  }
0x89: {  	s3 =	sld [smem:$0x3FFE];
	_ =	sdelay $0x1  }
0x8a: {  	s1 =	srdreg.scid  }
0x8b: {  	s0 =	sand.u32 $0x1, s1  }
0x8c: {  	s16 =	sshll.u32 s0, $0xA;
	s2 =	sadd.s32 s3, s2  }
0x8d: {  	s2 =	sadd.s32 s2, s16  }
0x8e: {  	[smem:$0x3FC0] =	sst s2  }
0x8f: {  	_ = 	snop  }
0x90: {  	(tm) =	ssettm $0x1  }
0x91: {  	s17 =	sld [smem:$0x3FFB];
	_ =	sdelay $0x3  }
0x92: {  	_ =	strace s17  }
0x93: {  	s2 =	sld [smem:$0x3FFC];
	_ =	sdelay $0x3  }
0x94: {  	_ =	strace s2  }
0x95: {  	s2 =	sld [smem:$0x3FFD];
	_ =	sdelay $0x3  }
0x96: {  	_ =	strace s2  }
0x97: {  	_ =	strace $0x8FFFFFFF  }
0x98: {  	s18 =	sld [smem:$0x3FDB];
	_ =	sdelay $0x1  }
0x99: {  	s19 =	simm.s32 $_scs_section_size  }
0x9a: {  	s4 =	simm.s32 $_size__tile_overlayer_lowered;
	s5 =	simm.s32 $_tile_overlayer_lowered  }
0x9b: {  	s22 =	simm.s32 $0x1BFF;
	s21 =	sshll.u32 s5, $0x1;
	s2 =	sadd.s32 s19, s18  }
0x9c: {  	s6 =	simm.s32 $0x0;
	s20 =	sshll.u32 s4, $0x1;
	s4 =	sadd.s32 s21, s2  }
0x9d: {  	[timem:s6], [sflag:s22] =	dma.local [hbm:s4], s20  }
0x9e: {  	_ =	swait.ge [sflag:s22], s20  }
0x9f: {  	s3 =	ssub.s32 $0x0, s20;
	[sflag:s22] =	ssyncset.done $0x0  }
0xa0: {  	[sflag:s22] =	ssyncadd.s32 s3;
	_ =	sdelay $0x1  }
0xa1: {  	s23 =	simm.s32 $0x1B8B  }
0xa2: {  	_ =	swait.ge [sflag:s23], $0x1  }
0xa3: {  	[sflag:s23] =	ssyncset.done $0x0  }
0xa4: {  	s25 =	simm.s32 $0x1B8E;
	s24 =	sld [smem:$0x3FFE];
	[sflag:s23] =	ssyncadd.s32 $0xFFFFFFFF  }
0xa5: {  	s26 =	simm.s32 $execute0_lowered;
	[smem:$0x3FD2] =	sst s25  }
0xa6: {  	s4 =	sshll.u32 s26, $0x1;
	_ =	strace $0x80000046;
	[dreg:$0x1] =	wrdreg $0xFFFFFFFF  }
0xa7: {  	s28 =	simm.s32 $_size_execute0_lowered;
	s2 =	sadd.s32 s2, s4;
	[dreg:$0x0] =	wrdreg $0x0  }
0xa8: {  	s4 =	sshll.u32 s28, $0x1;
	[dreg:$0x2] =	wrdreg s2  }
0xa9: {  	[dreg:$0x3] =	wrdreg s4  }
0xaa: {  	[dreg:$0x4] =	wrdreg $0xC0  }
0xab: {  	_ =	task [dreg:s6], $0x5FFFF  }
0xac: {  	[dreg:$0x1] =	wrdreg $0xFFFFFFFF  }
0xad: {  	[dreg:$0x0] =	wrdreg $0x60  }
0xae: {  	[dreg:$0x2] =	wrdreg s24  }
0xaf: {  	[dreg:$0x3] =	wrdreg $0x9  }
0xb0: {  	_ =	task.clear_ibuf [dreg:s6], $0x4FFFF;
	_ =	strace $0x90000046  }
0xb1: {  	s29 =	simm.s32 $0x9;
	_ =	strace $0x80000048  }
0xb2: {  	_ =	swait.ge [sflag:s29], $0x1  }
0xb3: {  	[sflag:s29] =	ssyncadd.s32 $0xFFFFFFFF  }
0xb4: {  	_ =	strace $0x90000048  }
0xb5: {  	_ =	sfence  }
0xb6: {  	s30 =	sld [smem:$0x0];
	_ =	sdelay $0x2  }
0xb7: {  	s31 =	sshll.u32 s1, $0xD;
	s1 =	sshrl.u32 s1, $0x2  }
0xb8: {  	s3 =	sand.u32 $0x4000, s31;
	s1 =	sadd.s32 s1, s30  }
0xb9: {  	s0 =	sor.u32 s3, s0;
	s1 =	sshll.u32 s1, $0x11  }
0xba: {  	s0 =	sor.u32 s1, s0  }
0xbb: {  	s0 =	sadd.s32 $0x8F2B, s0  }
0xbc: {  	[sflag:s0] =	ssyncadd.remote.s32 $0x1  }
0xbd: {  	_ =	sfence.sel $0xFFFF  }
0xbe: {  	[dreg:$0x0] =	wrdreg $0xFFFFFFFF;
	(pc) =	sbr.abs _section_cstart, $3  }
0xbf: {  	[dreg:$0x1] =	wrdreg $0xFFFFFFFF  }
0xc0: {  	_ =	task.clear_ibuf [dreg:s6], $0x2FFFF;
	_ =	strace $0x9FFFFFFF  }
0xc1: {  	(tm) =	ssettm $0x7FFFFFFF  }
tec
execute0_lowered:
.L_overlay_start_1:
0x0: {  	(tag) =	ssettag $0x1  }
0x1: {  	s6 =	rddreg [dreg:$0x0]  }
0x2: {  	s0 =	rddreg [dreg:$0x1];
	s2 =	simm.s32 $0x0  }
0x3: {  	s3 =	srdreg.scid;
	s1 =	stileid.u32;
	s10 =	simm.s32 $0x5  }
0x4: {  	s11 =	simm.s32 $0x100;
	s12 =	simm.s32 $0x200;
	s13 =	simm.s32 $0x1  }
0x5: {  	s14 =	simm.s32 $0x40;
	s15 =	simm.s32 $0x80;
	s16 =	simm.s32 $0x4200  }
0x6: {  	s17 =	simm.s32 $0x2;
	s18 =	simm.s32 $0x3;
	s19 =	simm.s32 $0x4  }
0x7: {  	s20 =	simm.s32 $0x0;
	[smem:$0x7FF] =	sst s2;
	s5 =	sand.u32 $0x1, s3  }
.Ltmp0:
0x8: {  	s3 =	sadd.s32 $0xF43C00, s6;
	s7 =	sshll.u32 s1, $0x9;
	(pc) =	sbr.rel .LBB2_1-.Ltmp0, $4  }
0x9: {  	s4 =	sadd.s32 $0x1800, s6;
	s8 =	sshll.u32 s5, $0x8;
	s9 =	ssub.s32 $0x2, s5  }
0xa: {  	s6 =	sadd.s32 $0xF000, s6;
	s5 =	sor.u32 s8, s7;
	s31 =	sshrl.u32 s9, $0x1  }
0xb: {  	_ =	strace $0x80000047;
	s8 =	sshrl.u32 s5, $0x3;
	s9 =	ssub.s32 s9, s31  }
0xc: {  	s7 =	sadd.s32 s4, s8;
	s8 =	sshll.u32 s5, $0x7;
	s9 =	smax.u32 s9, $0x1  }
.LBB2_7:
0xd: {  	s20 =	sadd.s32 $0x1, s20  }
0xe: {  	_ =	swait.ge [sflag:s18], $0x4000;
	p0 =	sne.s32 s20, s9  }
.Ltmp1:
0xf: {  	[sflag:s18] =	ssyncset.done $0x0;
	(pc) =	sbr.rel @!p0 .LBB2_8-.Ltmp1, $4  }
0x10: {  	[sflag:s18] =	ssyncadd.s32 $0xFFFFC000  }
0x11: {  	_ =	swait.ge [sflag:s19], $0x4000  }
0x12: {  	[sflag:s19] =	ssyncset.done $0x0  }
0x13: {  	[sflag:s19] =	ssyncadd.s32 $0xFFFFC000  }
.LBB2_1:
.Ltmp2:
0x14: {  	(pc) =	sbr.rel .LBB2_2-.Ltmp2, $4  }
0x15: {  	[tilespmem:s2], [sflag:$0x5] =	stream.linear.gather [hbm4b:s7+s2], $0x100, $0x38;
	[tilespmem:$0x8200] =	vst v63  }
0x16: {  	_ =	swait.ge [sflag:s10], $0x100  }
0x17: {  	s21 =	simm.s32 $0xFE500000;
	[sflag:s10] =	ssyncset.done $0x0  }
0x18: {  	s22 =	simm.s32 $0x0;
	s23 =	simm.s32 $0x0;
	[sflag:s10] =	ssyncadd.s32 $0xFFFFFF00  }
.LBB2_3:
0x19: {  	[tilespmem:s16], [sflag:$0x2] =	stream.indirect.gather [hbm4b:s3+s11], $0x40, s11, s11, $0xb8;
	[tilespmem:$0x8200] =	vst v63  }
.LBB2_5:
0x1a: {  	s25 =	sadd.s32 $0x2, s22  }
0x1b: {  	s26 =	sand.u32 $0xFF, s25  }
0x1c: {  	s26 =	smul.u32 $0x13, s26;
	_ =	sdelay $0x1  }
0x1d: {  	s26 =	sshrl.u32 s26, $0x9  }
0x1e: {  	s28 =	smul.u32 $0x1B, s26;
	_ =	sdelay $0x1  }
0x1f: {  	s25 =	ssub.s32 s25, s28  }
0x20: {  	s26 =	sshll.u32 s26, $0xD;
	s25 =	sand.u32 $0xFF, s25  }
0x21: {  	s26 =	sor.u32 s5, s26;
	s25 =	sshll.u32 s25, $0xE  }
0x22: {  	s25 =	sadd.s32 s25, s26  }
0x23: {  	s25 =	sshrl.u32 s25, $0x3  }
0x24: {  	s25 =	sadd.s32 s4, s25  }
0x25: {  	[tilespmem:s2], [sflag:$0x5] =	stream.linear.gather [hbm4b:s25+s2], $0x100, $0x38;
	[tilespmem:$0x8200] =	vst v63  }
0x26: {  	_ =	swait.ge [sflag:s10], $0x100  }
0x27: {  	[sflag:s10] =	ssyncset.done $0x0  }
0x28: {  	[sflag:s10] =	ssyncadd.s32 $0xFFFFFF00  }
.LBB2_6:
0x29: {  	s25 =	simm.s32 $0x40;
	s22 =	sadd.s32 $0x2, s22  }
0x2a: {  	s24 =	sshll.u32 s24, $0x14;
	s25 =	simm.s32 @!p0 $0x0;
	p0 =	sne.s32 s22, $0x36  }
.Ltmp3:
0x2b: {  	s24 =	sor.u32 s25, s24;
	(pc) =	sbr.rel @!p0 .LBB2_7-.Ltmp3, $4  }
0x2c: {  	_ =	swait.ge [sflag:s17], $0x4000;
	s24 =	sor.u32 s8, s24  }
0x2d: {  	s23 =	sadd.s32 $0x1, s23;
	[sflag:s17] =	ssyncset.done $0x0;
	s24 =	sshrl.u32 s24, $0x3  }
0x2e: {  	s21 =	sadd.s32 $0x200000, s21;
	[sflag:s17] =	ssyncadd.s32 $0xFFFFC000;
	s24 =	sadd.s32 s6, s24  }
0x2f: {  	[hbm4b:s24+s14] =	stream.strided.scatter [tilespmem:s16], [sflag:$0x4], $0x4000, s15, s14, $0x38;
	[tilespmem:$0x8200] =	vst v63  }
.LBB2_2:
0x30: {  	p0 =	seq.s32 s22, $0x0  }
0x31: {  	s24 =	simm.s32 @!p0 $0x3  }
0x32: {  	_ =	swait.ge @!p0 [sflag:s24], $0x4000  }
0x33: {  	s25 =	sadd.s32 $0x1, s22;
	[sflag:s24] =	ssyncset.done @!p0 $0x0  }
0x34: {  	[sflag:s24] =	ssyncadd.s32 @!p0 $0xFFFFC000;
	s24 =	sadd.s32 $0xFFFFFFE6, s22;
	p0 =	slt.u32 s25, $0x1B  }
0x35: {  	[tilespmem:s12], [sflag:$0x1] =	stream.indirect.gather [hbm4b:s3+s11], $0x40, s2, s11, $0xb8;
	[tilespmem:$0x8200] =	vst v63  }
0x36: {  	s24 =	smov.u32 @p0 s25;
	p0 =	sgt.u32 s23, $0xC;
	s25 =	simm.s32 $0x2000  }
0x37: {  	s26 =	sshll.u32 s24, $0xE;
	s25 =	simm.s32 @!p0 $0x0  }
0x38: {  	s25 =	sor.u32 s25, s26  }
0x39: {  	s25 =	sor.u32 s5, s25  }
0x3a: {  	p1 =	sgt.u32 s23, $0xD;
	p2 =	slt.u32 s23, $0xE;
	s25 =	sshrl.u32 s25, $0x3  }
0x3b: {  	s28 =	smov.u32 s21;
	s26 =	sadd.s32 $0x1B00000, s21;
	s25 =	sadd.s32 s4, s25  }
0x3c: {  	[tilespmem:s11], [sflag:$0x5] =	stream.linear.gather [hbm4b:s25+s2], $0x100, $0x38;
	[tilespmem:$0x8200] =	vst v63  }
0x3d: {  	s28 =	smov.u32 @p2 s26;
	s25 =	simm.s32 $0x40;
	_ =	swait.ge [sflag:s10], $0x100  }
0x3e: {  	s25 =	simm.s32 @!p1 $0x0;
	p1 =	sne.s32 s22, $0x0;
	[sflag:s10] =	ssyncset.done $0x0  }
.Ltmp4:
0x3f: {  	s25 =	sor.u32 s28, s25;
	[sflag:s10] =	ssyncadd.s32 $0xFFFFFF00;
	(pc) =	sbr.rel @!p1 .LBB2_3-.Ltmp4, $4  }
0x40: {  	s25 =	sor.u32 s8, s25;
	_ =	swait.ge [sflag:s13], $0x4000  }
0x41: {  	s25 =	sshrl.u32 s25, $0x3;
	[sflag:s13] =	ssyncset.done $0x0  }
0x42: {  	s25 =	sadd.s32 s6, s25;
	[sflag:s13] =	ssyncadd.s32 $0xFFFFC000  }
0x43: {  	[hbm4b:s25+s14] =	stream.strided.scatter [tilespmem:s12], [sflag:$0x3], $0x4000, s15, s14, $0x38;
	[tilespmem:$0x8200] =	vst v63  }
0x44: {  	p1 =	seq.s32 s22, $0x34  }
.Ltmp5:
0x45: {  	_ = 	snop;
	(pc) =	sbr.rel @p1 .LBB2_6-.Ltmp5, $4  }
.Ltmp6:
0x46: {  	_ =	swait.ge [sflag:s19], $0x4000;
	(pc) =	sbr.rel @!p1 .LBB2_5-.Ltmp6, $4  }
0x47: {  	[sflag:s19] =	ssyncset.done $0x0  }
0x48: {  	[sflag:s19] =	ssyncadd.s32 $0xFFFFC000  }
0x49: {  	[tilespmem:s16], [sflag:$0x2] =	stream.indirect.gather [hbm4b:s3+s11], $0x40, s11, s11, $0xb8;
	[tilespmem:$0x8200] =	vst v63  }
0x4a: {  	_ = 	snop  }
.LBB2_8:
0x4b: {  	_ =	sfence.sel $0x180000  }
0x4c: {  	[bflag:$0x0] =	sbarrier.arrive $0xFFFF  }
0x4d: {  	p0 =	sne.s32 s1, $0x0;
	_ =	strace $0x90000047  }
0x4e: {  	s0 =	sadd.s32 @!p0 $0x100000, s0;
	[bflag:$0x2] =	sbarrier.arrive $0xFFFF  }
0x4f: {  	[sflag:s0] =	ssyncadd.tile.s32 @!p0 $0x1;
	_ =	shalt  }
.Lfunc_end2:
_tile_overlayer_lowered:
.L_overlay_start_2:
0x50: {  	(tag) =	ssettag $0x2  }
0x51: {  	s0 =	rddreg [dreg:$0x0];
	s2 =	stileid.u32  }
0x52: {  	s1 =	rddreg [dreg:$0x1];
	p0 =	sne.s32 s2, $0x0  }
0x53: {  	s3 =	rddreg [dreg:$0x2];
	[bflag:$0x3] =	sbarrier.arrive $0xFFFF;
	s2 =	simm.s32 @!p0 $0x1C05  }
0x54: {  	[timem:s3], [sflag:s2] =	dma.local @!p0 [hbm:s0], s1  }
0x55: {  	s0 =	simm.s32 @!p0 $0x5  }
0x56: {  	_ =	swait.ge @!p0 [sflag:s0], s1  }
0x57: {  	s1 =	ssub.s32 @!p0 $0x0, s1;
	[sflag:s0] =	ssyncset.done @!p0 $0x0  }
0x58: {  	[sflag:s0] =	ssyncadd.s32 @!p0 s1  }
0x59: {  	[bflag:$0x3] =	sbarrier.arrive $0xFFFF  }
0x5a: {  	_ =	shalt  }

</sc_bundles>
